<compile_context>
chip_gen: v7x
topology: tpu7x:2x2x1
jax: 0.10.2.dev20260603
libtpu: 0.0.44.dev20260713+nightly
codegen_flags: <defaults>
</compile_context>

<pallas_src>
import functools

import jax
import jax.numpy as jnp
from jax import lax
from jax.experimental import pallas as pl
from jax.experimental.pallas import tpu as pltpu
from jax.experimental.pallas import tpu_sc as plsc

N = 10000
D = 128
NC = 2
NS = 16
NW = NC * NS
CHUNK = 128
N_ACC = 10240
BLK = 2000


def _prep_body(f_ref, n_ref, h_ref):
    h_ref[...] = f_ref[...] * n_ref[...]


def _prep(feature, norm):
    return pl.pallas_call(
        _prep_body,
        grid=(N // BLK,),
        in_specs=[
            pl.BlockSpec((BLK, D), lambda i: (i, 0)),
            pl.BlockSpec((BLK, 1), lambda i: (i, 0)),
        ],
        out_specs=pl.BlockSpec((BLK, D), lambda i: (i, 0)),
        out_shape=jax.ShapeDtypeStruct((N, D), jnp.float32),
    )(feature, norm)


def _final_body(p_ref, n_ref, w_ref, b_ref, o_ref):
    acc = (p_ref[0] + p_ref[1]) * n_ref[...]
    o_ref[...] = lax.dot_general(
        acc, w_ref[...], (((1,), (1,)), ((), ())),
        preferred_element_type=jnp.float32) + b_ref[...]


def _final(partials, norm, W, b2):
    return pl.pallas_call(
        _final_body,
        grid=(N // BLK,),
        in_specs=[
            pl.BlockSpec((2, BLK, D), lambda i: (0, i, 0)),
            pl.BlockSpec((BLK, 1), lambda i: (i, 0)),
            pl.BlockSpec((D, D), lambda i: (0, 0)),
            pl.BlockSpec((1, D), lambda i: (0, 0)),
        ],
        out_specs=pl.BlockSpec((BLK, D), lambda i: (i, 0)),
        out_shape=jax.ShapeDtypeStruct((N, D), jnp.float32),
    )(partials, norm, W, b2)


def _sc_segment_sum(h, src_p, dst_p, cpw):
    mesh = plsc.VectorSubcoreMesh(
        core_axis_name="c", subcore_axis_name="s",
        num_cores=NC, num_subcores=NS)

    @functools.partial(
        pl.kernel,
        out_type=jax.ShapeDtypeStruct((NC, N_ACC, D), jnp.float32),
        mesh=mesh,
        scratch_types=[
            pltpu.VMEM((CHUNK,), jnp.int32),
            pltpu.VMEM((CHUNK,), jnp.int32),
            pltpu.VMEM((CHUNK,), jnp.int32),
            pltpu.VMEM((CHUNK,), jnp.int32),
            pltpu.VMEM((2, CHUNK, D), jnp.float32),
            pltpu.VMEM_SHARED((N_ACC, D), jnp.float32),
            pltpu.SemaphoreType.DMA,
            pltpu.SemaphoreType.DMA,
            pltpu.SemaphoreType.DMA,
            pltpu.SemaphoreType.DMA,
        ],
    )
    def k(h_hbm, src_hbm, dst_hbm, out_hbm, sidx0, sidx1, didx0, didx1,
          rows, accum, isem0, isem1, gsem0, gsem1):
        c = lax.axis_index("c")
        s = lax.axis_index("s")
        w = c * NS + s
        sidx = (sidx0, sidx1)
        didx = (didx0, didx1)
        isem = (isem0, isem1)
        gsem = (gsem0, gsem1)

        def zb(i, carry):
            rows[0, i // 8, pl.ds((i % 8) * 16, 16)] = (
                jnp.zeros((16,), jnp.float32))
            return carry
        lax.fori_loop(0, CHUNK * (D // 16), zb, 0)
        slab = N_ACC // NS
        for j in range(slab // CHUNK):
            pltpu.sync_copy(rows.at[0],
                            accum.at[pl.ds(s * slab + j * CHUNK, CHUNK)])
        plsc.subcore_barrier()

        base = w * cpw * CHUNK

        def idx_descs(j, b):
            off = base + j * CHUNK
            return (
                pltpu.make_async_copy(
                    src_hbm.at[pl.ds(off, CHUNK)], sidx[b], isem[b]),
                pltpu.make_async_copy(
                    dst_hbm.at[pl.ds(off, CHUNK)], didx[b], isem[b]),
            )

        def gather_desc(b):
            return pltpu.make_async_copy(h_hbm.at[sidx[b]], rows.at[b],
                                         gsem[b])

        for d in idx_descs(0, 0):
            d.start()

        def body(jo, carry):
            for b in range(2):
                j = jo * 2 + b

                @pl.when(j < cpw)
                def _():
                    for d in idx_descs(j, b):
                        d.wait()
                    gather_desc(b).start()

                @pl.when((j >= 1) & (j <= cpw))
                def _():
                    gather_desc(1 - b).wait()
                    pltpu.sync_copy(rows.at[1 - b],
                                    accum.at[didx[1 - b]], add=True)

                @pl.when(j + 1 < cpw)
                def _():
                    for d in idx_descs(j + 1, 1 - b):
                        d.start()
            return carry
        lax.fori_loop(0, cpw // 2 + 1, body, 0)

        plsc.subcore_barrier()
        pltpu.sync_copy(accum.at[pl.ds(s * slab, slab)],
                        out_hbm.at[c, pl.ds(s * slab, slab)])

    return k(h, src_p, dst_p)


def kernel(feature, edge_index, norm, W, b):
    E = edge_index.shape[1]
    cpw = -(-E // (NW * CHUNK))
    cpw = -(-cpw // 4) * 4
    e_pad = NW * cpw * CHUNK
    src = edge_index[0].astype(jnp.int32)
    dst = edge_index[1].astype(jnp.int32)
    if E % NW == 0:
        epw = E // NW
        src_p = jnp.pad(src.reshape(NW, epw),
                        ((0, 0), (0, cpw * CHUNK - epw))).reshape(-1)
        dst_p = jnp.pad(dst.reshape(NW, epw),
                        ((0, 0), (0, cpw * CHUNK - epw)),
                        constant_values=N).reshape(-1)
    else:
        src_p = jnp.concatenate([src, jnp.zeros((e_pad - E,), jnp.int32)])
        dst_p = jnp.concatenate([dst, jnp.full((e_pad - E,), N, jnp.int32)])

    h = _prep(feature, norm)
    partials = _sc_segment_sum(h, src_p, dst_p, cpw)
    return _final(partials, norm, W, b.reshape(1, D))

# --- scband reference (transcript-rebuilt; emitter-appended) ---
"""Pipeline reference for scband-gcnlayer-60009283059862 (READ-ONLY COPY).

The authoritative reference and input builder live on the scoring server;
editing this copy changes nothing except your own understanding.
"""

import jax, jax.numpy as jnp
import numpy as np

N = 10000
E = 320000
D = 128

def setup_inputs(seed: int = 0) -> dict:
    key = jax.random.key(seed)
    k1, k2, k3, k4, k5 = jax.random.split(key, 5)
    feature = jax.random.normal(k1, (N, D), dtype=jnp.float32)
    edge_index = jax.random.randint(k2, (2, E), 0, N)
    # node-level normalization factor (e.g. 1/sqrt(deg)) stored as g.ndata['norm']
    norm = jax.random.uniform(k3, (N, 1), dtype=jnp.float32)
    # nn.Linear(in_feats=128, out_feats=128) parameters
    W = jax.random.normal(k4, (D, D), dtype=jnp.float32) * 0.05
    b = jax.random.normal(k5, (D,), dtype=jnp.float32) * 0.05
    return {"feature": feature, "edge_index": edge_index, "norm": norm, "W": W, "b": b}

def reference(feature, edge_index, norm, W, b):
    src = edge_index[0]
    dst = edge_index[1]
    # gcn_msg: m = src['h'] * src['norm']
    msg = feature[src] * norm[src]
    # gcn_reduce: h = sum(mailbox['m']) * dst['norm']  (sum over incoming edges)
    accum = jax.ops.segment_sum(msg, dst, num_segments=N) * norm
    # self.linear(h)
    return accum @ W.T + b

if __name__ == "__main__":
    import jax
    _d = setup_inputs()
    print(jax.jit(kernel)(*tuple(_d.values())))

</pallas_src>

<mosaic_0001>
#map = affine_map<(d0, d1) -> (0, 0)>
#map1 = affine_map<(d0, d1) -> (0)>
#map2 = affine_map<(d0, d1) -> (0, 0, 0)>
module attributes {stable_mosaic.version = 14 : i64} {
  func.func @k(%arg0: i32, %arg1: i32, %arg2: memref<10000x128xf32, #tpu.memory_space<hbm>>, %arg3: memref<327680xi32, #tpu.memory_space<hbm>>, %arg4: memref<327680xi32, #tpu.memory_space<hbm>>, %arg5: memref<2x10240x128xf32, #tpu.memory_space<hbm>>, %arg6: memref<128xi32, #tpu.memory_space<vmem>>, %arg7: memref<128xi32, #tpu.memory_space<vmem>>, %arg8: memref<128xi32, #tpu.memory_space<vmem>>, %arg9: memref<128xi32, #tpu.memory_space<vmem>>, %arg10: memref<2x128x128xf32, #tpu.memory_space<vmem>>, %arg11: memref<10240x128xf32, #tpu.memory_space<vmem_shared>>, %arg12: memref<!tpu.dma_semaphore, #tpu.memory_space<semaphore_mem>>, %arg13: memref<!tpu.dma_semaphore, #tpu.memory_space<semaphore_mem>>, %arg14: memref<!tpu.dma_semaphore, #tpu.memory_space<semaphore_mem>>, %arg15: memref<!tpu.dma_semaphore, #tpu.memory_space<semaphore_mem>>) attributes {dimension_semantics = [#tpu.dimension_semantics<core_parallel>, #tpu.dimension_semantics<subcore_parallel>], iteration_bounds = array<i64: 2, 16>, scalar_prefetch = 0 : i64, scratch_operands = 10 : i64, tpu.core_type = #tpu.core_type<sc_vector_subcore>, window_params = [{transform_indices = #map}, {transform_indices = #map1}, {transform_indices = #map1}, {transform_indices = #map2}]} {
    %mul3A = arith.constant 16 : i32
    %mul3A_0 = arith.muli %arg0, %mul3A : i32
    %add3A = arith.addi %mul3A_0, %arg1 : i32
    %scan3A = arith.constant 0 : i32
    %scan3A_1 = arith.constant 0 : i32
    %scan3A_2 = arith.constant 1024 : i32
    %scan3A_3 = arith.addi %scan3A_1, %scan3A_2 : i32
    %scan3A_4 = arith.constant 1 : i32
    scf.for %scan3A_50 = %scan3A_1 to %scan3A_3 step %scan3A_4  : i32 {
      %broadcast_in_dim3A = arith.constant 0.000000e+00 : f32
      %broadcast_in_dim3A_51 = vector.broadcast %broadcast_in_dim3A : f32 to vector<16xf32>
      %jit3A = arith.constant 8 : i32
      %div3A = arith.divsi %scan3A_50, %jit3A : i32
      %sign3A = arith.constant 0 : i32
      %sign3A_52 = arith.cmpi sgt, %scan3A_50, %sign3A : i32
      %sign3A_53 = arith.extui %sign3A_52 : i1 to i32
      %sign3A_54 = arith.constant 0 : i32
      %sign3A_55 = arith.cmpi slt, %scan3A_50, %sign3A_54 : i32
      %sign3A_56 = arith.extui %sign3A_55 : i1 to i32
      %sign3A_57 = arith.subi %sign3A_53, %sign3A_56 : i32
      %sign3A_58 = arith.constant 0 : i32
      %sign3A_59 = arith.cmpi sgt, %jit3A, %sign3A_58 : i32
      %sign3A_60 = arith.extui %sign3A_59 : i1 to i32
      %sign3A_61 = arith.constant 0 : i32
      %sign3A_62 = arith.cmpi slt, %jit3A, %sign3A_61 : i32
      %sign3A_63 = arith.extui %sign3A_62 : i1 to i32
      %sign3A_64 = arith.subi %sign3A_60, %sign3A_63 : i32
      %ne3A = arith.cmpi ne, %sign3A_57, %sign3A_64 : i32
      %rem3A = arith.remsi %scan3A_50, %jit3A : i32
      %ne3A_65 = arith.constant 0 : i32
      %ne3A_66 = arith.cmpi ne, %rem3A, %ne3A_65 : i32
      %and3A = arith.andi %ne3A, %ne3A_66 : i1
      %sub3A = arith.constant 1 : i32
      %sub3A_67 = arith.subi %div3A, %sub3A : i32
      %select_n3A = arith.select %and3A, %sub3A_67, %div3A : i32
      %jit3A_68 = arith.constant 8 : i32
      %eq3A = arith.constant 0 : i32
      %eq3A_69 = arith.cmpi eq, %jit3A_68, %eq3A : i32
      %jit3A_70 = arith.constant 1 : i32
      %select_n3A_71 = arith.select %eq3A_69, %jit3A_70, %jit3A_68 : i32
      %rem3A_72 = arith.remsi %scan3A_50, %select_n3A_71 : i32
      %ne3A_73 = arith.constant 0 : i32
      %ne3A_74 = arith.cmpi ne, %rem3A_72, %ne3A_73 : i32
      %lt3A = arith.constant 0 : i32
      %lt3A_75 = arith.cmpi slt, %rem3A_72, %lt3A : i32
      %lt3A_76 = arith.constant 0 : i32
      %lt3A_77 = arith.cmpi slt, %select_n3A_71, %lt3A_76 : i32
      %ne3A_78 = arith.xori %lt3A_75, %lt3A_77 : i1
      %and3A_79 = arith.andi %ne3A_78, %ne3A_74 : i1
      %add3A_80 = arith.addi %rem3A_72, %select_n3A_71 : i32
      %select_n3A_81 = arith.select %and3A_79, %add3A_80, %rem3A_72 : i32
      %mul3A_82 = arith.constant 16 : i32
      %mul3A_83 = arith.muli %select_n3A_81, %mul3A_82 : i32
      %swap3A = arith.constant 0 : i32
      %swap3A_84 = arith.index_cast %swap3A : i32 to index
      %swap3A_85 = arith.index_cast %select_n3A : i32 to index
      %swap3A_86 = arith.index_cast %mul3A_83 : i32 to index
      %swap3A_87 = tpu.vector_load %arg10[%swap3A_84, %swap3A_85, %swap3A_86] {strides = array<i32>} : memref<2x128x128xf32, #tpu.memory_space<vmem>>, vector<1x1x16xf32>,
      %swap3A_88 = vector.shape_cast %swap3A_87 : vector<1x1x16xf32> to vector<16xf32>
      %swap3A_89 = vector.shape_cast %broadcast_in_dim3A_51 : vector<16xf32> to vector<1x1x16xf32>
      tpu.vector_store %arg10[%swap3A_84, %swap3A_85, %swap3A_86], %swap3A_89 {strides = array<i32>} : memref<2x128x128xf32, #tpu.memory_space<vmem>>, vector<1x1x16xf32>,
    }
    %scan3A_5 = arith.constant 1024 : i32
    %mul3A_6 = arith.constant 640 : i32
    %mul3A_7 = arith.muli %arg1, %mul3A_6 : i32
    %add3A_8 = arith.constant 0 : i32
    %add3A_9 = arith.addi %mul3A_7, %add3A_8 : i32
    %run_scoped3A = arith.constant 0 : i32
    "tpu.region"() ({
      %run_scoped3A_50 = tpu.sem_alloc : memref<!tpu.dma_semaphore, #tpu.memory_space<semaphore_mem>>
      %dma_start3A_51 = arith.constant 0 : i32
      %dma_start3A_52 = arith.constant 0 : i32
      %dma_start3A_53 = tpu.memref_slice %arg10[%run_scoped3A, %dma_start3A_51, %dma_start3A_52] : memref<2x128x128xf32, #tpu.memory_space<vmem>> -> memref<1x128x128xf32, #tpu.memory_space<vmem>>
      %dma_start3A_54 = tpu.memref_squeeze %dma_start3A_53 : memref<1x128x128xf32, #tpu.memory_space<vmem>> -> memref<128x128xf32, #tpu.memory_space<vmem>>
      %dma_start3A_55 = arith.constant 0 : i32
      %dma_start3A_56 = tpu.memref_slice %arg11[%add3A_9, %dma_start3A_55] : memref<10240x128xf32, #tpu.memory_space<vmem_shared>> -> memref<128x128xf32, #tpu.memory_space<vmem_shared>>
      %dma_start3A_57 = arith.constant 0 : i32
      %dma_start3A_58 = tpu.memref_slice %arg11[%add3A_9, %dma_start3A_57] : memref<10240x128xf32, #tpu.memory_space<vmem_shared>> -> memref<128x128xf32, #tpu.memory_space<vmem_shared>>
      %dma_start3A_59 = arith.constant 0 : i32
      %dma_start3A_60 = arith.constant 0 : i32
      %dma_start3A_61 = tpu.memref_slice %arg10[%run_scoped3A, %dma_start3A_59, %dma_start3A_60] : memref<2x128x128xf32, #tpu.memory_space<vmem>> -> memref<1x128x128xf32, #tpu.memory_space<vmem>>
      %dma_start3A_62 = tpu.memref_squeeze %dma_start3A_61 : memref<1x128x128xf32, #tpu.memory_space<vmem>> -> memref<128x128xf32, #tpu.memory_space<vmem>>
      tpu.enqueue_dma source(%dma_start3A_62 : memref<128x128xf32, #tpu.memory_space<vmem>>) target(%dma_start3A_58 : memref<128x128xf32, #tpu.memory_space<vmem_shared>>) target_semaphore(%run_scoped3A_50 : memref<!tpu.dma_semaphore, #tpu.memory_space<semaphore_mem>>)
      %dma_wait3A = arith.constant 0 : i32
      %dma_wait3A_63 = arith.constant 0 : i32
      %dma_wait3A_64 = tpu.memref_slice %arg10[%run_scoped3A, %dma_wait3A, %dma_wait3A_63] : memref<2x128x128xf32, #tpu.memory_space<vmem>> -> memref<1x128x128xf32, #tpu.memory_space<vmem>>
      %dma_wait3A_65 = tpu.memref_squeeze %dma_wait3A_64 : memref<1x128x128xf32, #tpu.memory_space<vmem>> -> memref<128x128xf32, #tpu.memory_space<vmem>>
      %dma_wait3A_66 = arith.constant 0 : i32
      %dma_wait3A_67 = tpu.memref_slice %arg11[%add3A_9, %dma_wait3A_66] : memref<10240x128xf32, #tpu.memory_space<vmem_shared>> -> memref<128x128xf32, #tpu.memory_space<vmem_shared>>
      %dma_wait3A_68 = arith.constant 0 : i32
      %dma_wait3A_69 = tpu.memref_slice %arg11[%add3A_9, %dma_wait3A_68] : memref<10240x128xf32, #tpu.memory_space<vmem_shared>> -> memref<128x128xf32, #tpu.memory_space<vmem_shared>>
      %dma_wait3A_70 = arith.constant 0 : i32
      %dma_wait3A_71 = arith.constant 0 : i32
      %dma_wait3A_72 = tpu.memref_slice %arg10[%run_scoped3A, %dma_wait3A_70, %dma_wait3A_71] : memref<2x128x128xf32, #tpu.memory_space<vmem>> -> memref<1x128x128xf32, #tpu.memory_space<vmem>>
      %dma_wait3A_73 = tpu.memref_squeeze %dma_wait3A_72 : memref<1x128x128xf32, #tpu.memory_space<vmem>> -> memref<128x128xf32, #tpu.memory_space<vmem>>
      tpu.wait_dma2 semaphore(%run_scoped3A_50 : memref<!tpu.dma_semaphore, #tpu.memory_space<semaphore_mem>>) src(%dma_wait3A_73 : memref<128x128xf32, #tpu.memory_space<vmem>>) dst(%dma_wait3A_69 : memref<128x128xf32, #tpu.memory_space<vmem_shared>>)
      tpu.yield
    }) : () -> ()
    %mul3A_10 = arith.constant 640 : i32
    %mul3A_11 = arith.muli %arg1, %mul3A_10 : i32
    %add3A_12 = arith.constant 128 : i32
    %add3A_13 = arith.addi %mul3A_11, %add3A_12 : i32
    %run_scoped3A_14 = arith.constant 0 : i32
    "tpu.region"() ({
      %run_scoped3A_50 = tpu.sem_alloc : memref<!tpu.dma_semaphore, #tpu.memory_space<semaphore_mem>>
      %dma_start3A_51 = arith.constant 0 : i32
      %dma_start3A_52 = arith.constant 0 : i32
      %dma_start3A_53 = tpu.memref_slice %arg10[%run_scoped3A_14, %dma_start3A_51, %dma_start3A_52] : memref<2x128x128xf32, #tpu.memory_space<vmem>> -> memref<1x128x128xf32, #tpu.memory_space<vmem>>
      %dma_start3A_54 = tpu.memref_squeeze %dma_start3A_53 : memref<1x128x128xf32, #tpu.memory_space<vmem>> -> memref<128x128xf32, #tpu.memory_space<vmem>>
      %dma_start3A_55 = arith.constant 0 : i32
      %dma_start3A_56 = tpu.memref_slice %arg11[%add3A_13, %dma_start3A_55] : memref<10240x128xf32, #tpu.memory_space<vmem_shared>> -> memref<128x128xf32, #tpu.memory_space<vmem_shared>>
      %dma_start3A_57 = arith.constant 0 : i32
      %dma_start3A_58 = tpu.memref_slice %arg11[%add3A_13, %dma_start3A_57] : memref<10240x128xf32, #tpu.memory_space<vmem_shared>> -> memref<128x128xf32, #tpu.memory_space<vmem_shared>>
      %dma_start3A_59 = arith.constant 0 : i32
      %dma_start3A_60 = arith.constant 0 : i32
      %dma_start3A_61 = tpu.memref_slice %arg10[%run_scoped3A_14, %dma_start3A_59, %dma_start3A_60] : memref<2x128x128xf32, #tpu.memory_space<vmem>> -> memref<1x128x128xf32, #tpu.memory_space<vmem>>
      %dma_start3A_62 = tpu.memref_squeeze %dma_start3A_61 : memref<1x128x128xf32, #tpu.memory_space<vmem>> -> memref<128x128xf32, #tpu.memory_space<vmem>>
      tpu.enqueue_dma source(%dma_start3A_62 : memref<128x128xf32, #tpu.memory_space<vmem>>) target(%dma_start3A_58 : memref<128x128xf32, #tpu.memory_space<vmem_shared>>) target_semaphore(%run_scoped3A_50 : memref<!tpu.dma_semaphore, #tpu.memory_space<semaphore_mem>>)
      %dma_wait3A = arith.constant 0 : i32
      %dma_wait3A_63 = arith.constant 0 : i32
      %dma_wait3A_64 = tpu.memref_slice %arg10[%run_scoped3A_14, %dma_wait3A, %dma_wait3A_63] : memref<2x128x128xf32, #tpu.memory_space<vmem>> -> memref<1x128x128xf32, #tpu.memory_space<vmem>>
      %dma_wait3A_65 = tpu.memref_squeeze %dma_wait3A_64 : memref<1x128x128xf32, #tpu.memory_space<vmem>> -> memref<128x128xf32, #tpu.memory_space<vmem>>
      %dma_wait3A_66 = arith.constant 0 : i32
      %dma_wait3A_67 = tpu.memref_slice %arg11[%add3A_13, %dma_wait3A_66] : memref<10240x128xf32, #tpu.memory_space<vmem_shared>> -> memref<128x128xf32, #tpu.memory_space<vmem_shared>>
      %dma_wait3A_68 = arith.constant 0 : i32
      %dma_wait3A_69 = tpu.memref_slice %arg11[%add3A_13, %dma_wait3A_68] : memref<10240x128xf32, #tpu.memory_space<vmem_shared>> -> memref<128x128xf32, #tpu.memory_space<vmem_shared>>
      %dma_wait3A_70 = arith.constant 0 : i32
      %dma_wait3A_71 = arith.constant 0 : i32
      %dma_wait3A_72 = tpu.memref_slice %arg10[%run_scoped3A_14, %dma_wait3A_70, %dma_wait3A_71] : memref<2x128x128xf32, #tpu.memory_space<vmem>> -> memref<1x128x128xf32, #tpu.memory_space<vmem>>
      %dma_wait3A_73 = tpu.memref_squeeze %dma_wait3A_72 : memref<1x128x128xf32, #tpu.memory_space<vmem>> -> memref<128x128xf32, #tpu.memory_space<vmem>>
      tpu.wait_dma2 semaphore(%run_scoped3A_50 : memref<!tpu.dma_semaphore, #tpu.memory_space<semaphore_mem>>) src(%dma_wait3A_73 : memref<128x128xf32, #tpu.memory_space<vmem>>) dst(%dma_wait3A_69 : memref<128x128xf32, #tpu.memory_space<vmem_shared>>)
      tpu.yield
    }) : () -> ()
    %mul3A_15 = arith.constant 640 : i32
    %mul3A_16 = arith.muli %arg1, %mul3A_15 : i32
    %add3A_17 = arith.constant 256 : i32
    %add3A_18 = arith.addi %mul3A_16, %add3A_17 : i32
    %run_scoped3A_19 = arith.constant 0 : i32
    "tpu.region"() ({
      %run_scoped3A_50 = tpu.sem_alloc : memref<!tpu.dma_semaphore, #tpu.memory_space<semaphore_mem>>
      %dma_start3A_51 = arith.constant 0 : i32
      %dma_start3A_52 = arith.constant 0 : i32
      %dma_start3A_53 = tpu.memref_slice %arg10[%run_scoped3A_19, %dma_start3A_51, %dma_start3A_52] : memref<2x128x128xf32, #tpu.memory_space<vmem>> -> memref<1x128x128xf32, #tpu.memory_space<vmem>>
      %dma_start3A_54 = tpu.memref_squeeze %dma_start3A_53 : memref<1x128x128xf32, #tpu.memory_space<vmem>> -> memref<128x128xf32, #tpu.memory_space<vmem>>
      %dma_start3A_55 = arith.constant 0 : i32
      %dma_start3A_56 = tpu.memref_slice %arg11[%add3A_18, %dma_start3A_55] : memref<10240x128xf32, #tpu.memory_space<vmem_shared>> -> memref<128x128xf32, #tpu.memory_space<vmem_shared>>
      %dma_start3A_57 = arith.constant 0 : i32
      %dma_start3A_58 = tpu.memref_slice %arg11[%add3A_18, %dma_start3A_57] : memref<10240x128xf32, #tpu.memory_space<vmem_shared>> -> memref<128x128xf32, #tpu.memory_space<vmem_shared>>
      %dma_start3A_59 = arith.constant 0 : i32
      %dma_start3A_60 = arith.constant 0 : i32
      %dma_start3A_61 = tpu.memref_slice %arg10[%run_scoped3A_19, %dma_start3A_59, %dma_start3A_60] : memref<2x128x128xf32, #tpu.memory_space<vmem>> -> memref<1x128x128xf32, #tpu.memory_space<vmem>>
      %dma_start3A_62 = tpu.memref_squeeze %dma_start3A_61 : memref<1x128x128xf32, #tpu.memory_space<vmem>> -> memref<128x128xf32, #tpu.memory_space<vmem>>
      tpu.enqueue_dma source(%dma_start3A_62 : memref<128x128xf32, #tpu.memory_space<vmem>>) target(%dma_start3A_58 : memref<128x128xf32, #tpu.memory_space<vmem_shared>>) target_semaphore(%run_scoped3A_50 : memref<!tpu.dma_semaphore, #tpu.memory_space<semaphore_mem>>)
      %dma_wait3A = arith.constant 0 : i32
      %dma_wait3A_63 = arith.constant 0 : i32
      %dma_wait3A_64 = tpu.memref_slice %arg10[%run_scoped3A_19, %dma_wait3A, %dma_wait3A_63] : memref<2x128x128xf32, #tpu.memory_space<vmem>> -> memref<1x128x128xf32, #tpu.memory_space<vmem>>
      %dma_wait3A_65 = tpu.memref_squeeze %dma_wait3A_64 : memref<1x128x128xf32, #tpu.memory_space<vmem>> -> memref<128x128xf32, #tpu.memory_space<vmem>>
      %dma_wait3A_66 = arith.constant 0 : i32
      %dma_wait3A_67 = tpu.memref_slice %arg11[%add3A_18, %dma_wait3A_66] : memref<10240x128xf32, #tpu.memory_space<vmem_shared>> -> memref<128x128xf32, #tpu.memory_space<vmem_shared>>
      %dma_wait3A_68 = arith.constant 0 : i32
      %dma_wait3A_69 = tpu.memref_slice %arg11[%add3A_18, %dma_wait3A_68] : memref<10240x128xf32, #tpu.memory_space<vmem_shared>> -> memref<128x128xf32, #tpu.memory_space<vmem_shared>>
      %dma_wait3A_70 = arith.constant 0 : i32
      %dma_wait3A_71 = arith.constant 0 : i32
      %dma_wait3A_72 = tpu.memref_slice %arg10[%run_scoped3A_19, %dma_wait3A_70, %dma_wait3A_71] : memref<2x128x128xf32, #tpu.memory_space<vmem>> -> memref<1x128x128xf32, #tpu.memory_space<vmem>>
      %dma_wait3A_73 = tpu.memref_squeeze %dma_wait3A_72 : memref<1x128x128xf32, #tpu.memory_space<vmem>> -> memref<128x128xf32, #tpu.memory_space<vmem>>
      tpu.wait_dma2 semaphore(%run_scoped3A_50 : memref<!tpu.dma_semaphore, #tpu.memory_space<semaphore_mem>>) src(%dma_wait3A_73 : memref<128x128xf32, #tpu.memory_space<vmem>>) dst(%dma_wait3A_69 : memref<128x128xf32, #tpu.memory_space<vmem_shared>>)
      tpu.yield
    }) : () -> ()
    %mul3A_20 = arith.constant 640 : i32
    %mul3A_21 = arith.muli %arg1, %mul3A_20 : i32
    %add3A_22 = arith.constant 384 : i32
    %add3A_23 = arith.addi %mul3A_21, %add3A_22 : i32
    %run_scoped3A_24 = arith.constant 0 : i32
    "tpu.region"() ({
      %run_scoped3A_50 = tpu.sem_alloc : memref<!tpu.dma_semaphore, #tpu.memory_space<semaphore_mem>>
      %dma_start3A_51 = arith.constant 0 : i32
      %dma_start3A_52 = arith.constant 0 : i32
      %dma_start3A_53 = tpu.memref_slice %arg10[%run_scoped3A_24, %dma_start3A_51, %dma_start3A_52] : memref<2x128x128xf32, #tpu.memory_space<vmem>> -> memref<1x128x128xf32, #tpu.memory_space<vmem>>
      %dma_start3A_54 = tpu.memref_squeeze %dma_start3A_53 : memref<1x128x128xf32, #tpu.memory_space<vmem>> -> memref<128x128xf32, #tpu.memory_space<vmem>>
      %dma_start3A_55 = arith.constant 0 : i32
      %dma_start3A_56 = tpu.memref_slice %arg11[%add3A_23, %dma_start3A_55] : memref<10240x128xf32, #tpu.memory_space<vmem_shared>> -> memref<128x128xf32, #tpu.memory_space<vmem_shared>>
      %dma_start3A_57 = arith.constant 0 : i32
      %dma_start3A_58 = tpu.memref_slice %arg11[%add3A_23, %dma_start3A_57] : memref<10240x128xf32, #tpu.memory_space<vmem_shared>> -> memref<128x128xf32, #tpu.memory_space<vmem_shared>>
      %dma_start3A_59 = arith.constant 0 : i32
      %dma_start3A_60 = arith.constant 0 : i32
      %dma_start3A_61 = tpu.memref_slice %arg10[%run_scoped3A_24, %dma_start3A_59, %dma_start3A_60] : memref<2x128x128xf32, #tpu.memory_space<vmem>> -> memref<1x128x128xf32, #tpu.memory_space<vmem>>
      %dma_start3A_62 = tpu.memref_squeeze %dma_start3A_61 : memref<1x128x128xf32, #tpu.memory_space<vmem>> -> memref<128x128xf32, #tpu.memory_space<vmem>>
      tpu.enqueue_dma source(%dma_start3A_62 : memref<128x128xf32, #tpu.memory_space<vmem>>) target(%dma_start3A_58 : memref<128x128xf32, #tpu.memory_space<vmem_shared>>) target_semaphore(%run_scoped3A_50 : memref<!tpu.dma_semaphore, #tpu.memory_space<semaphore_mem>>)
      %dma_wait3A = arith.constant 0 : i32
      %dma_wait3A_63 = arith.constant 0 : i32
      %dma_wait3A_64 = tpu.memref_slice %arg10[%run_scoped3A_24, %dma_wait3A, %dma_wait3A_63] : memref<2x128x128xf32, #tpu.memory_space<vmem>> -> memref<1x128x128xf32, #tpu.memory_space<vmem>>
      %dma_wait3A_65 = tpu.memref_squeeze %dma_wait3A_64 : memref<1x128x128xf32, #tpu.memory_space<vmem>> -> memref<128x128xf32, #tpu.memory_space<vmem>>
      %dma_wait3A_66 = arith.constant 0 : i32
      %dma_wait3A_67 = tpu.memref_slice %arg11[%add3A_23, %dma_wait3A_66] : memref<10240x128xf32, #tpu.memory_space<vmem_shared>> -> memref<128x128xf32, #tpu.memory_space<vmem_shared>>
      %dma_wait3A_68 = arith.constant 0 : i32
      %dma_wait3A_69 = tpu.memref_slice %arg11[%add3A_23, %dma_wait3A_68] : memref<10240x128xf32, #tpu.memory_space<vmem_shared>> -> memref<128x128xf32, #tpu.memory_space<vmem_shared>>
      %dma_wait3A_70 = arith.constant 0 : i32
      %dma_wait3A_71 = arith.constant 0 : i32
      %dma_wait3A_72 = tpu.memref_slice %arg10[%run_scoped3A_24, %dma_wait3A_70, %dma_wait3A_71] : memref<2x128x128xf32, #tpu.memory_space<vmem>> -> memref<1x128x128xf32, #tpu.memory_space<vmem>>
      %dma_wait3A_73 = tpu.memref_squeeze %dma_wait3A_72 : memref<1x128x128xf32, #tpu.memory_space<vmem>> -> memref<128x128xf32, #tpu.memory_space<vmem>>
      tpu.wait_dma2 semaphore(%run_scoped3A_50 : memref<!tpu.dma_semaphore, #tpu.memory_space<semaphore_mem>>) src(%dma_wait3A_73 : memref<128x128xf32, #tpu.memory_space<vmem>>) dst(%dma_wait3A_69 : memref<128x128xf32, #tpu.memory_space<vmem_shared>>)
      tpu.yield
    }) : () -> ()
    %mul3A_25 = arith.constant 640 : i32
    %mul3A_26 = arith.muli %arg1, %mul3A_25 : i32
    %add3A_27 = arith.constant 512 : i32
    %add3A_28 = arith.addi %mul3A_26, %add3A_27 : i32
    %run_scoped3A_29 = arith.constant 0 : i32
    "tpu.region"() ({
      %run_scoped3A_50 = tpu.sem_alloc : memref<!tpu.dma_semaphore, #tpu.memory_space<semaphore_mem>>
      %dma_start3A_51 = arith.constant 0 : i32
      %dma_start3A_52 = arith.constant 0 : i32
      %dma_start3A_53 = tpu.memref_slice %arg10[%run_scoped3A_29, %dma_start3A_51, %dma_start3A_52] : memref<2x128x128xf32, #tpu.memory_space<vmem>> -> memref<1x128x128xf32, #tpu.memory_space<vmem>>
      %dma_start3A_54 = tpu.memref_squeeze %dma_start3A_53 : memref<1x128x128xf32, #tpu.memory_space<vmem>> -> memref<128x128xf32, #tpu.memory_space<vmem>>
      %dma_start3A_55 = arith.constant 0 : i32
      %dma_start3A_56 = tpu.memref_slice %arg11[%add3A_28, %dma_start3A_55] : memref<10240x128xf32, #tpu.memory_space<vmem_shared>> -> memref<128x128xf32, #tpu.memory_space<vmem_shared>>
      %dma_start3A_57 = arith.constant 0 : i32
      %dma_start3A_58 = tpu.memref_slice %arg11[%add3A_28, %dma_start3A_57] : memref<10240x128xf32, #tpu.memory_space<vmem_shared>> -> memref<128x128xf32, #tpu.memory_space<vmem_shared>>
      %dma_start3A_59 = arith.constant 0 : i32
      %dma_start3A_60 = arith.constant 0 : i32
      %dma_start3A_61 = tpu.memref_slice %arg10[%run_scoped3A_29, %dma_start3A_59, %dma_start3A_60] : memref<2x128x128xf32, #tpu.memory_space<vmem>> -> memref<1x128x128xf32, #tpu.memory_space<vmem>>
      %dma_start3A_62 = tpu.memref_squeeze %dma_start3A_61 : memref<1x128x128xf32, #tpu.memory_space<vmem>> -> memref<128x128xf32, #tpu.memory_space<vmem>>
      tpu.enqueue_dma source(%dma_start3A_62 : memref<128x128xf32, #tpu.memory_space<vmem>>) target(%dma_start3A_58 : memref<128x128xf32, #tpu.memory_space<vmem_shared>>) target_semaphore(%run_scoped3A_50 : memref<!tpu.dma_semaphore, #tpu.memory_space<semaphore_mem>>)
      %dma_wait3A = arith.constant 0 : i32
      %dma_wait3A_63 = arith.constant 0 : i32
      %dma_wait3A_64 = tpu.memref_slice %arg10[%run_scoped3A_29, %dma_wait3A, %dma_wait3A_63] : memref<2x128x128xf32, #tpu.memory_space<vmem>> -> memref<1x128x128xf32, #tpu.memory_space<vmem>>
      %dma_wait3A_65 = tpu.memref_squeeze %dma_wait3A_64 : memref<1x128x128xf32, #tpu.memory_space<vmem>> -> memref<128x128xf32, #tpu.memory_space<vmem>>
      %dma_wait3A_66 = arith.constant 0 : i32
      %dma_wait3A_67 = tpu.memref_slice %arg11[%add3A_28, %dma_wait3A_66] : memref<10240x128xf32, #tpu.memory_space<vmem_shared>> -> memref<128x128xf32, #tpu.memory_space<vmem_shared>>
      %dma_wait3A_68 = arith.constant 0 : i32
      %dma_wait3A_69 = tpu.memref_slice %arg11[%add3A_28, %dma_wait3A_68] : memref<10240x128xf32, #tpu.memory_space<vmem_shared>> -> memref<128x128xf32, #tpu.memory_space<vmem_shared>>
      %dma_wait3A_70 = arith.constant 0 : i32
      %dma_wait3A_71 = arith.constant 0 : i32
      %dma_wait3A_72 = tpu.memref_slice %arg10[%run_scoped3A_29, %dma_wait3A_70, %dma_wait3A_71] : memref<2x128x128xf32, #tpu.memory_space<vmem>> -> memref<1x128x128xf32, #tpu.memory_space<vmem>>
      %dma_wait3A_73 = tpu.memref_squeeze %dma_wait3A_72 : memref<1x128x128xf32, #tpu.memory_space<vmem>> -> memref<128x128xf32, #tpu.memory_space<vmem>>
      tpu.wait_dma2 semaphore(%run_scoped3A_50 : memref<!tpu.dma_semaphore, #tpu.memory_space<semaphore_mem>>) src(%dma_wait3A_73 : memref<128x128xf32, #tpu.memory_space<vmem>>) dst(%dma_wait3A_69 : memref<128x128xf32, #tpu.memory_space<vmem_shared>>)
      tpu.yield
    }) : () -> ()
    %barrier3A = arith.constant 0 : index
    tpu.barrier barrier_id(%barrier3A)
    %mul3A_30 = arith.constant 80 : i32
    %mul3A_31 = arith.muli %add3A, %mul3A_30 : i32
    %mul3A_32 = arith.constant 128 : i32
    %mul3A_33 = arith.muli %mul3A_31, %mul3A_32 : i32
    %add3A_34 = arith.constant 0 : i32
    %add3A_35 = arith.addi %mul3A_33, %add3A_34 : i32
    %dma_start3A = tpu.memref_slice %arg3[%add3A_35] : memref<327680xi32, #tpu.memory_space<hbm>> -> memref<128xi32, #tpu.memory_space<hbm>>
    %dma_start3A_36 = tpu.memref_slice %arg3[%add3A_35] : memref<327680xi32, #tpu.memory_space<hbm>> -> memref<128xi32, #tpu.memory_space<hbm>>
    tpu.enqueue_dma source(%dma_start3A_36 : memref<128xi32, #tpu.memory_space<hbm>>) target(%arg6 : memref<128xi32, #tpu.memory_space<vmem>>) target_semaphore(%arg12 : memref<!tpu.dma_semaphore, #tpu.memory_space<semaphore_mem>>)
    %dma_start3A_37 = tpu.memref_slice %arg4[%add3A_35] : memref<327680xi32, #tpu.memory_space<hbm>> -> memref<128xi32, #tpu.memory_space<hbm>>
    %dma_start3A_38 = tpu.memref_slice %arg4[%add3A_35] : memref<327680xi32, #tpu.memory_space<hbm>> -> memref<128xi32, #tpu.memory_space<hbm>>
    tpu.enqueue_dma source(%dma_start3A_38 : memref<128xi32, #tpu.memory_space<hbm>>) target(%arg8 : memref<128xi32, #tpu.memory_space<vmem>>) target_semaphore(%arg12 : memref<!tpu.dma_semaphore, #tpu.memory_space<semaphore_mem>>)
    %scan3A_39 = arith.constant 0 : i32
    %scan3A_40 = arith.constant 0 : i32
    %scan3A_41 = arith.constant 41 : i32
    %scan3A_42 = arith.addi %scan3A_40, %scan3A_41 : i32
    %scan3A_43 = arith.constant 1 : i32
    scf.for %scan3A_50 = %scan3A_40 to %scan3A_42 step %scan3A_43  : i32 {
      %mul3A_51 = arith.constant 2 : i32
      %mul3A_52 = arith.muli %scan3A_50, %mul3A_51 : i32
      %add3A_53 = arith.constant 0 : i32
      %add3A_54 = arith.addi %mul3A_52, %add3A_53 : i32
      %lt3A = arith.constant 80 : i32
      %lt3A_55 = arith.cmpi slt, %add3A_54, %lt3A : i32
      %convert_element_type3A = arith.extui %lt3A_55 : i1 to i32
      %cond3A = arith.constant 0 : i32
      %cond3A_56 = arith.cmpi ne, %convert_element_type3A, %cond3A : i32
      scf.if %cond3A_56 {
        %mul3A_93 = arith.constant 128 : i32
        %mul3A_94 = arith.muli %add3A_54, %mul3A_93 : i32
        %add3A_95 = arith.addi %mul3A_33, %mul3A_94 : i32
        %dma_wait3A = tpu.memref_slice %arg3[%add3A_95] : memref<327680xi32, #tpu.memory_space<hbm>> -> memref<128xi32, #tpu.memory_space<hbm>>
        %dma_wait3A_96 = tpu.memref_slice %arg3[%add3A_95] : memref<327680xi32, #tpu.memory_space<hbm>> -> memref<128xi32, #tpu.memory_space<hbm>>
        tpu.wait_dma2 semaphore(%arg12 : memref<!tpu.dma_semaphore, #tpu.memory_space<semaphore_mem>>) src(%dma_wait3A_96 : memref<128xi32, #tpu.memory_space<hbm>>) dst(%arg6 : memref<128xi32, #tpu.memory_space<vmem>>)
        %dma_wait3A_97 = tpu.memref_slice %arg4[%add3A_95] : memref<327680xi32, #tpu.memory_space<hbm>> -> memref<128xi32, #tpu.memory_space<hbm>>
        %dma_wait3A_98 = tpu.memref_slice %arg4[%add3A_95] : memref<327680xi32, #tpu.memory_space<hbm>> -> memref<128xi32, #tpu.memory_space<hbm>>
        tpu.wait_dma2 semaphore(%arg12 : memref<!tpu.dma_semaphore, #tpu.memory_space<semaphore_mem>>) src(%dma_wait3A_98 : memref<128xi32, #tpu.memory_space<hbm>>) dst(%arg8 : memref<128xi32, #tpu.memory_space<vmem>>)
        %dma_start3A_99 = arith.constant 0 : i32
        %dma_start3A_100 = arith.constant 0 : i32
        %dma_start3A_101 = arith.constant 0 : i32
        %dma_start3A_102 = tpu.memref_slice %arg10[%dma_start3A_99, %dma_start3A_100, %dma_start3A_101] : memref<2x128x128xf32, #tpu.memory_space<vmem>> -> memref<1x128x128xf32, #tpu.memory_space<vmem>>
        %dma_start3A_103 = tpu.memref_squeeze %dma_start3A_102 : memref<1x128x128xf32, #tpu.memory_space<vmem>> -> memref<128x128xf32, #tpu.memory_space<vmem>>
        %dma_start3A_104 = arith.constant 0 : i32
        %dma_start3A_105 = arith.constant 0 : i32
        %dma_start3A_106 = tpu.memref_slice %arg2[%dma_start3A_104, %dma_start3A_105] : memref<10000x128xf32, #tpu.memory_space<hbm>> -> memref<10000x128xf32, #tpu.memory_space<hbm>>
        tpu.enqueue_indirect_dma source(%dma_start3A_106 : memref<10000x128xf32, #tpu.memory_space<hbm>>) target(%dma_start3A_103 : memref<128x128xf32, #tpu.memory_space<vmem>>) offsets(%arg6 : memref<128xi32, #tpu.memory_space<vmem>>) semaphore(%arg14 : memref<!tpu.dma_semaphore, #tpu.memory_space<semaphore_mem>>)
      } else {
      }
      %ge3A = arith.constant 1 : i32
      %ge3A_57 = arith.cmpi sge, %add3A_54, %ge3A : i32
      %le3A = arith.constant 80 : i32
      %le3A_58 = arith.cmpi sle, %add3A_54, %le3A : i32
      %and3A = arith.andi %ge3A_57, %le3A_58 : i1
      %convert_element_type3A_59 = arith.extui %and3A : i1 to i32
      %cond3A_60 = arith.constant 0 : i32
      %cond3A_61 = arith.cmpi ne, %convert_element_type3A_59, %cond3A_60 : i32
      scf.if %cond3A_61 {
        %dma_wait3A = arith.constant 1 : i32
        %dma_wait3A_93 = arith.constant 0 : i32
        %dma_wait3A_94 = arith.constant 0 : i32
        %dma_wait3A_95 = tpu.memref_slice %arg10[%dma_wait3A, %dma_wait3A_93, %dma_wait3A_94] : memref<2x128x128xf32, #tpu.memory_space<vmem>> -> memref<1x128x128xf32, #tpu.memory_space<vmem>>
        %dma_wait3A_96 = tpu.memref_squeeze %dma_wait3A_95 : memref<1x128x128xf32, #tpu.memory_space<vmem>> -> memref<128x128xf32, #tpu.memory_space<vmem>>
        %dma_wait3A_97 = arith.constant 0 : i32
        %dma_wait3A_98 = arith.constant 0 : i32
        %dma_wait3A_99 = tpu.memref_slice %arg2[%dma_wait3A_97, %dma_wait3A_98] : memref<10000x128xf32, #tpu.memory_space<hbm>> -> memref<10000x128xf32, #tpu.memory_space<hbm>>
        tpu.wait_indirect_dma semaphore(%arg15 : memref<!tpu.dma_semaphore, #tpu.memory_space<semaphore_mem>>) src(%dma_wait3A_99 : memref<10000x128xf32, #tpu.memory_space<hbm>>) dst(%dma_wait3A_96 : memref<128x128xf32, #tpu.memory_space<vmem>>)
        %run_scoped3A_100 = arith.constant 1 : i32
        "tpu.region"() ({
          %run_scoped3A_101 = tpu.sem_alloc : memref<!tpu.dma_semaphore, #tpu.memory_space<semaphore_mem>>
          %dma_start3A_102 = arith.constant 0 : i32
          %dma_start3A_103 = arith.constant 0 : i32
          %dma_start3A_104 = tpu.memref_slice %arg10[%run_scoped3A_100, %dma_start3A_102, %dma_start3A_103] : memref<2x128x128xf32, #tpu.memory_space<vmem>> -> memref<1x128x128xf32, #tpu.memory_space<vmem>>
          %dma_start3A_105 = tpu.memref_squeeze %dma_start3A_104 : memref<1x128x128xf32, #tpu.memory_space<vmem>> -> memref<128x128xf32, #tpu.memory_space<vmem>>
          %dma_start3A_106 = arith.constant 0 : i32
          %dma_start3A_107 = arith.constant 0 : i32
          %dma_start3A_108 = tpu.memref_slice %arg11[%dma_start3A_106, %dma_start3A_107] : memref<10240x128xf32, #tpu.memory_space<vmem_shared>> -> memref<10240x128xf32, #tpu.memory_space<vmem_shared>>
          tpu.enqueue_indirect_dma source(%dma_start3A_105 : memref<128x128xf32, #tpu.memory_space<vmem>>) target(%dma_start3A_108 : memref<10240x128xf32, #tpu.memory_space<vmem_shared>>) offsets(%arg9 : memref<128xi32, #tpu.memory_space<vmem>>) semaphore(%run_scoped3A_101 : memref<!tpu.dma_semaphore, #tpu.memory_space<semaphore_mem>>) {add = true}
          %dma_wait3A_109 = arith.constant 0 : i32
          %dma_wait3A_110 = arith.constant 0 : i32
          %dma_wait3A_111 = tpu.memref_slice %arg10[%run_scoped3A_100, %dma_wait3A_109, %dma_wait3A_110] : memref<2x128x128xf32, #tpu.memory_space<vmem>> -> memref<1x128x128xf32, #tpu.memory_space<vmem>>
          %dma_wait3A_112 = tpu.memref_squeeze %dma_wait3A_111 : memref<1x128x128xf32, #tpu.memory_space<vmem>> -> memref<128x128xf32, #tpu.memory_space<vmem>>
          %dma_wait3A_113 = arith.constant 0 : i32
          %dma_wait3A_114 = arith.constant 0 : i32
          %dma_wait3A_115 = tpu.memref_slice %arg11[%dma_wait3A_113, %dma_wait3A_114] : memref<10240x128xf32, #tpu.memory_space<vmem_shared>> -> memref<10240x128xf32, #tpu.memory_space<vmem_shared>>
          tpu.wait_indirect_dma semaphore(%run_scoped3A_101 : memref<!tpu.dma_semaphore, #tpu.memory_space<semaphore_mem>>) src(%dma_wait3A_112 : memref<128x128xf32, #tpu.memory_space<vmem>>) dst(%dma_wait3A_115 : memref<10240x128xf32, #tpu.memory_space<vmem_shared>>)
          tpu.yield
        }) : () -> ()
      } else {
      }
      %add3A_62 = arith.constant 1 : i32
      %add3A_63 = arith.addi %add3A_54, %add3A_62 : i32
      %lt3A_64 = arith.constant 80 : i32
      %lt3A_65 = arith.cmpi slt, %add3A_63, %lt3A_64 : i32
      %convert_element_type3A_66 = arith.extui %lt3A_65 : i1 to i32
      %cond3A_67 = arith.constant 0 : i32
      %cond3A_68 = arith.cmpi ne, %convert_element_type3A_66, %cond3A_67 : i32
      scf.if %cond3A_68 {
        %add3A_93 = arith.constant 1 : i32
        %add3A_94 = arith.addi %add3A_54, %add3A_93 : i32
        %mul3A_95 = arith.constant 128 : i32
        %mul3A_96 = arith.muli %add3A_94, %mul3A_95 : i32
        %add3A_97 = arith.addi %mul3A_33, %mul3A_96 : i32
        %dma_start3A_98 = tpu.memref_slice %arg3[%add3A_97] : memref<327680xi32, #tpu.memory_space<hbm>> -> memref<128xi32, #tpu.memory_space<hbm>>
        %dma_start3A_99 = tpu.memref_slice %arg3[%add3A_97] : memref<327680xi32, #tpu.memory_space<hbm>> -> memref<128xi32, #tpu.memory_space<hbm>>
        tpu.enqueue_dma source(%dma_start3A_99 : memref<128xi32, #tpu.memory_space<hbm>>) target(%arg7 : memref<128xi32, #tpu.memory_space<vmem>>) target_semaphore(%arg13 : memref<!tpu.dma_semaphore, #tpu.memory_space<semaphore_mem>>)
        %dma_start3A_100 = tpu.memref_slice %arg4[%add3A_97] : memref<327680xi32, #tpu.memory_space<hbm>> -> memref<128xi32, #tpu.memory_space<hbm>>
        %dma_start3A_101 = tpu.memref_slice %arg4[%add3A_97] : memref<327680xi32, #tpu.memory_space<hbm>> -> memref<128xi32, #tpu.memory_space<hbm>>
        tpu.enqueue_dma source(%dma_start3A_101 : memref<128xi32, #tpu.memory_space<hbm>>) target(%arg9 : memref<128xi32, #tpu.memory_space<vmem>>) target_semaphore(%arg13 : memref<!tpu.dma_semaphore, #tpu.memory_space<semaphore_mem>>)
      } else {
      }
      %mul3A_69 = arith.constant 2 : i32
      %mul3A_70 = arith.muli %scan3A_50, %mul3A_69 : i32
      %add3A_71 = arith.constant 1 : i32
      %add3A_72 = arith.addi %mul3A_70, %add3A_71 : i32
      %lt3A_73 = arith.constant 80 : i32
      %lt3A_74 = arith.cmpi slt, %add3A_72, %lt3A_73 : i32
      %convert_element_type3A_75 = arith.extui %lt3A_74 : i1 to i32
      %cond3A_76 = arith.constant 0 : i32
      %cond3A_77 = arith.cmpi ne, %convert_element_type3A_75, %cond3A_76 : i32
      scf.if %cond3A_77 {
        %mul3A_93 = arith.constant 128 : i32
        %mul3A_94 = arith.muli %add3A_72, %mul3A_93 : i32
        %add3A_95 = arith.addi %mul3A_33, %mul3A_94 : i32
        %dma_wait3A = tpu.memref_slice %arg3[%add3A_95] : memref<327680xi32, #tpu.memory_space<hbm>> -> memref<128xi32, #tpu.memory_space<hbm>>
        %dma_wait3A_96 = tpu.memref_slice %arg3[%add3A_95] : memref<327680xi32, #tpu.memory_space<hbm>> -> memref<128xi32, #tpu.memory_space<hbm>>
        tpu.wait_dma2 semaphore(%arg13 : memref<!tpu.dma_semaphore, #tpu.memory_space<semaphore_mem>>) src(%dma_wait3A_96 : memref<128xi32, #tpu.memory_space<hbm>>) dst(%arg7 : memref<128xi32, #tpu.memory_space<vmem>>)
        %dma_wait3A_97 = tpu.memref_slice %arg4[%add3A_95] : memref<327680xi32, #tpu.memory_space<hbm>> -> memref<128xi32, #tpu.memory_space<hbm>>
        %dma_wait3A_98 = tpu.memref_slice %arg4[%add3A_95] : memref<327680xi32, #tpu.memory_space<hbm>> -> memref<128xi32, #tpu.memory_space<hbm>>
        tpu.wait_dma2 semaphore(%arg13 : memref<!tpu.dma_semaphore, #tpu.memory_space<semaphore_mem>>) src(%dma_wait3A_98 : memref<128xi32, #tpu.memory_space<hbm>>) dst(%arg9 : memref<128xi32, #tpu.memory_space<vmem>>)
        %dma_start3A_99 = arith.constant 1 : i32
        %dma_start3A_100 = arith.constant 0 : i32
        %dma_start3A_101 = arith.constant 0 : i32
        %dma_start3A_102 = tpu.memref_slice %arg10[%dma_start3A_99, %dma_start3A_100, %dma_start3A_101] : memref<2x128x128xf32, #tpu.memory_space<vmem>> -> memref<1x128x128xf32, #tpu.memory_space<vmem>>
        %dma_start3A_103 = tpu.memref_squeeze %dma_start3A_102 : memref<1x128x128xf32, #tpu.memory_space<vmem>> -> memref<128x128xf32, #tpu.memory_space<vmem>>
        %dma_start3A_104 = arith.constant 0 : i32
        %dma_start3A_105 = arith.constant 0 : i32
        %dma_start3A_106 = tpu.memref_slice %arg2[%dma_start3A_104, %dma_start3A_105] : memref<10000x128xf32, #tpu.memory_space<hbm>> -> memref<10000x128xf32, #tpu.memory_space<hbm>>
        tpu.enqueue_indirect_dma source(%dma_start3A_106 : memref<10000x128xf32, #tpu.memory_space<hbm>>) target(%dma_start3A_103 : memref<128x128xf32, #tpu.memory_space<vmem>>) offsets(%arg7 : memref<128xi32, #tpu.memory_space<vmem>>) semaphore(%arg15 : memref<!tpu.dma_semaphore, #tpu.memory_space<semaphore_mem>>)
      } else {
      }
      %ge3A_78 = arith.constant 1 : i32
      %ge3A_79 = arith.cmpi sge, %add3A_72, %ge3A_78 : i32
      %le3A_80 = arith.constant 80 : i32
      %le3A_81 = arith.cmpi sle, %add3A_72, %le3A_80 : i32
      %and3A_82 = arith.andi %ge3A_79, %le3A_81 : i1
      %convert_element_type3A_83 = arith.extui %and3A_82 : i1 to i32
      %cond3A_84 = arith.constant 0 : i32
      %cond3A_85 = arith.cmpi ne, %convert_element_type3A_83, %cond3A_84 : i32
      scf.if %cond3A_85 {
        %dma_wait3A = arith.constant 0 : i32
        %dma_wait3A_93 = arith.constant 0 : i32
        %dma_wait3A_94 = arith.constant 0 : i32
        %dma_wait3A_95 = tpu.memref_slice %arg10[%dma_wait3A, %dma_wait3A_93, %dma_wait3A_94] : memref<2x128x128xf32, #tpu.memory_space<vmem>> -> memref<1x128x128xf32, #tpu.memory_space<vmem>>
        %dma_wait3A_96 = tpu.memref_squeeze %dma_wait3A_95 : memref<1x128x128xf32, #tpu.memory_space<vmem>> -> memref<128x128xf32, #tpu.memory_space<vmem>>
        %dma_wait3A_97 = arith.constant 0 : i32
        %dma_wait3A_98 = arith.constant 0 : i32
        %dma_wait3A_99 = tpu.memref_slice %arg2[%dma_wait3A_97, %dma_wait3A_98] : memref<10000x128xf32, #tpu.memory_space<hbm>> -> memref<10000x128xf32, #tpu.memory_space<hbm>>
        tpu.wait_indirect_dma semaphore(%arg14 : memref<!tpu.dma_semaphore, #tpu.memory_space<semaphore_mem>>) src(%dma_wait3A_99 : memref<10000x128xf32, #tpu.memory_space<hbm>>) dst(%dma_wait3A_96 : memref<128x128xf32, #tpu.memory_space<vmem>>)
        %run_scoped3A_100 = arith.constant 0 : i32
        "tpu.region"() ({
          %run_scoped3A_101 = tpu.sem_alloc : memref<!tpu.dma_semaphore, #tpu.memory_space<semaphore_mem>>
          %dma_start3A_102 = arith.constant 0 : i32
          %dma_start3A_103 = arith.constant 0 : i32
          %dma_start3A_104 = tpu.memref_slice %arg10[%run_scoped3A_100, %dma_start3A_102, %dma_start3A_103] : memref<2x128x128xf32, #tpu.memory_space<vmem>> -> memref<1x128x128xf32, #tpu.memory_space<vmem>>
          %dma_start3A_105 = tpu.memref_squeeze %dma_start3A_104 : memref<1x128x128xf32, #tpu.memory_space<vmem>> -> memref<128x128xf32, #tpu.memory_space<vmem>>
          %dma_start3A_106 = arith.constant 0 : i32
          %dma_start3A_107 = arith.constant 0 : i32
          %dma_start3A_108 = tpu.memref_slice %arg11[%dma_start3A_106, %dma_start3A_107] : memref<10240x128xf32, #tpu.memory_space<vmem_shared>> -> memref<10240x128xf32, #tpu.memory_space<vmem_shared>>
          tpu.enqueue_indirect_dma source(%dma_start3A_105 : memref<128x128xf32, #tpu.memory_space<vmem>>) target(%dma_start3A_108 : memref<10240x128xf32, #tpu.memory_space<vmem_shared>>) offsets(%arg8 : memref<128xi32, #tpu.memory_space<vmem>>) semaphore(%run_scoped3A_101 : memref<!tpu.dma_semaphore, #tpu.memory_space<semaphore_mem>>) {add = true}
          %dma_wait3A_109 = arith.constant 0 : i32
          %dma_wait3A_110 = arith.constant 0 : i32
          %dma_wait3A_111 = tpu.memref_slice %arg10[%run_scoped3A_100, %dma_wait3A_109, %dma_wait3A_110] : memref<2x128x128xf32, #tpu.memory_space<vmem>> -> memref<1x128x128xf32, #tpu.memory_space<vmem>>
          %dma_wait3A_112 = tpu.memref_squeeze %dma_wait3A_111 : memref<1x128x128xf32, #tpu.memory_space<vmem>> -> memref<128x128xf32, #tpu.memory_space<vmem>>
          %dma_wait3A_113 = arith.constant 0 : i32
          %dma_wait3A_114 = arith.constant 0 : i32
          %dma_wait3A_115 = tpu.memref_slice %arg11[%dma_wait3A_113, %dma_wait3A_114] : memref<10240x128xf32, #tpu.memory_space<vmem_shared>> -> memref<10240x128xf32, #tpu.memory_space<vmem_shared>>
          tpu.wait_indirect_dma semaphore(%run_scoped3A_101 : memref<!tpu.dma_semaphore, #tpu.memory_space<semaphore_mem>>) src(%dma_wait3A_112 : memref<128x128xf32, #tpu.memory_space<vmem>>) dst(%dma_wait3A_115 : memref<10240x128xf32, #tpu.memory_space<vmem_shared>>)
          tpu.yield
        }) : () -> ()
      } else {
      }
      %add3A_86 = arith.constant 1 : i32
      %add3A_87 = arith.addi %add3A_72, %add3A_86 : i32
      %lt3A_88 = arith.constant 80 : i32
      %lt3A_89 = arith.cmpi slt, %add3A_87, %lt3A_88 : i32
      %convert_element_type3A_90 = arith.extui %lt3A_89 : i1 to i32
      %cond3A_91 = arith.constant 0 : i32
      %cond3A_92 = arith.cmpi ne, %convert_element_type3A_90, %cond3A_91 : i32
      scf.if %cond3A_92 {
        %add3A_93 = arith.constant 1 : i32
        %add3A_94 = arith.addi %add3A_72, %add3A_93 : i32
        %mul3A_95 = arith.constant 128 : i32
        %mul3A_96 = arith.muli %add3A_94, %mul3A_95 : i32
        %add3A_97 = arith.addi %mul3A_33, %mul3A_96 : i32
        %dma_start3A_98 = tpu.memref_slice %arg3[%add3A_97] : memref<327680xi32, #tpu.memory_space<hbm>> -> memref<128xi32, #tpu.memory_space<hbm>>
        %dma_start3A_99 = tpu.memref_slice %arg3[%add3A_97] : memref<327680xi32, #tpu.memory_space<hbm>> -> memref<128xi32, #tpu.memory_space<hbm>>
        tpu.enqueue_dma source(%dma_start3A_99 : memref<128xi32, #tpu.memory_space<hbm>>) target(%arg6 : memref<128xi32, #tpu.memory_space<vmem>>) target_semaphore(%arg12 : memref<!tpu.dma_semaphore, #tpu.memory_space<semaphore_mem>>)
        %dma_start3A_100 = tpu.memref_slice %arg4[%add3A_97] : memref<327680xi32, #tpu.memory_space<hbm>> -> memref<128xi32, #tpu.memory_space<hbm>>
        %dma_start3A_101 = tpu.memref_slice %arg4[%add3A_97] : memref<327680xi32, #tpu.memory_space<hbm>> -> memref<128xi32, #tpu.memory_space<hbm>>
        tpu.enqueue_dma source(%dma_start3A_101 : memref<128xi32, #tpu.memory_space<hbm>>) target(%arg8 : memref<128xi32, #tpu.memory_space<vmem>>) target_semaphore(%arg12 : memref<!tpu.dma_semaphore, #tpu.memory_space<semaphore_mem>>)
      } else {
      }
    }
    %scan3A_44 = arith.constant 41 : i32
    %barrier3A_45 = arith.constant 0 : index
    tpu.barrier barrier_id(%barrier3A_45)
    %mul3A_46 = arith.constant 640 : i32
    %mul3A_47 = arith.muli %arg1, %mul3A_46 : i32
    %mul3A_48 = arith.constant 640 : i32
    %mul3A_49 = arith.muli %arg1, %mul3A_48 : i32
    "tpu.region"() ({
      %run_scoped3A_50 = tpu.sem_alloc : memref<!tpu.dma_semaphore, #tpu.memory_space<semaphore_mem>>
      %dma_start3A_51 = arith.constant 0 : i32
      %dma_start3A_52 = tpu.memref_slice %arg5[%arg0, %mul3A_49, %dma_start3A_51] : memref<2x10240x128xf32, #tpu.memory_space<hbm>> -> memref<1x640x128xf32, #tpu.memory_space<hbm>>
      %dma_start3A_53 = tpu.memref_squeeze %dma_start3A_52 : memref<1x640x128xf32, #tpu.memory_space<hbm>> -> memref<640x128xf32, #tpu.memory_space<hbm>>
      %dma_start3A_54 = arith.constant 0 : i32
      %dma_start3A_55 = tpu.memref_slice %arg11[%mul3A_47, %dma_start3A_54] : memref<10240x128xf32, #tpu.memory_space<vmem_shared>> -> memref<640x128xf32, #tpu.memory_space<vmem_shared>>
      tpu.enqueue_dma source(%dma_start3A_55 : memref<640x128xf32, #tpu.memory_space<vmem_shared>>) target(%dma_start3A_53 : memref<640x128xf32, #tpu.memory_space<hbm>>) target_semaphore(%run_scoped3A_50 : memref<!tpu.dma_semaphore, #tpu.memory_space<semaphore_mem>>)
      %dma_wait3A = arith.constant 0 : i32
      %dma_wait3A_56 = tpu.memref_slice %arg5[%arg0, %mul3A_49, %dma_wait3A] : memref<2x10240x128xf32, #tpu.memory_space<hbm>> -> memref<1x640x128xf32, #tpu.memory_space<hbm>>
      %dma_wait3A_57 = tpu.memref_squeeze %dma_wait3A_56 : memref<1x640x128xf32, #tpu.memory_space<hbm>> -> memref<640x128xf32, #tpu.memory_space<hbm>>
      %dma_wait3A_58 = arith.constant 0 : i32
      %dma_wait3A_59 = tpu.memref_slice %arg11[%mul3A_47, %dma_wait3A_58] : memref<10240x128xf32, #tpu.memory_space<vmem_shared>> -> memref<640x128xf32, #tpu.memory_space<vmem_shared>>
      tpu.wait_dma2 semaphore(%run_scoped3A_50 : memref<!tpu.dma_semaphore, #tpu.memory_space<semaphore_mem>>) src(%dma_wait3A_59 : memref<640x128xf32, #tpu.memory_space<vmem_shared>>) dst(%dma_wait3A_57 : memref<640x128xf32, #tpu.memory_space<hbm>>)
      tpu.yield
    }) : () -> ()
    return
  }
}

module attributes {stable_mosaic.version = 14 : i64} {
  func.func @_prep_body(%arg0: i32, %arg1: memref<2000x128xf32, #tpu.memory_space<vmem>>, %arg2: memref<2000x1xf32, #tpu.memory_space<vmem>>, %arg3: memref<2000x128xf32, #tpu.memory_space<vmem>>) attributes {dimension_semantics = [#tpu.dimension_semantics<arbitrary>], iteration_bounds = array<i64: 5>, scalar_prefetch = 0 : i64, scratch_operands = 0 : i64, tpu.core_type = #tpu.core_type<tc>, window_params = [{transform_indices = @transform_0, window_bounds = array<i64: 2000, 128>}, {transform_indices = @transform_1, window_bounds = array<i64: 2000, 1>}, {transform_indices = @transform_2, window_bounds = array<i64: 2000, 128>}]} {
    %get3A = arith.constant 0 : index
    %get3A_0 = arith.constant 0 : index
    %get3A_1 = vector.load %arg1[%get3A, %get3A_0] : memref<2000x128xf32, #tpu.memory_space<vmem>>, vector<2000x128xf32>
    %get3A_2 = arith.constant 0 : index
    %get3A_3 = arith.constant 0 : index
    %get3A_4 = vector.load %arg2[%get3A_2, %get3A_3] : memref<2000x1xf32, #tpu.memory_space<vmem>>, vector<2000x1xf32>
    %mul3A = vector.broadcast %get3A_4 : vector<2000x1xf32> to vector<2000x128xf32>
    %mul3A_5 = arith.mulf %get3A_1, %mul3A : vector<2000x128xf32>
    %swap3A = arith.constant 0 : index
    %swap3A_6 = arith.constant 0 : index
    %swap3A_7 = vector.load %arg3[%swap3A, %swap3A_6] : memref<2000x128xf32, #tpu.memory_space<vmem>>, vector<2000x128xf32>
    tpu.vector_store %arg3[%swap3A, %swap3A_6], %mul3A_5 {strides = array<i32>} : memref<2000x128xf32, #tpu.memory_space<vmem>>, vector<2000x128xf32>,
    return
  }
  func.func @transform_0(%arg0: i32) -> (i32, i32) {
    %c0_i32 = arith.constant 0 : i32
    %c0_i32_0 = arith.constant 0 : i32
    return %arg0, %c0_i32 : i32, i32
  }
  func.func @transform_1(%arg0: i32) -> (i32, i32) {
    %c0_i32 = arith.constant 0 : i32
    %c0_i32_0 = arith.constant 0 : i32
    return %arg0, %c0_i32 : i32, i32
  }
  func.func @transform_2(%arg0: i32) -> (i32, i32) {
    %c0_i32 = arith.constant 0 : i32
    %c0_i32_0 = arith.constant 0 : i32
    return %arg0, %c0_i32 : i32, i32
  }
}

module attributes {stable_mosaic.version = 14 : i64} {
  func.func @_final_body(%arg0: i32, %arg1: memref<2x2000x128xf32, #tpu.memory_space<vmem>>, %arg2: memref<2000x1xf32, #tpu.memory_space<vmem>>, %arg3: memref<128x128xf32, #tpu.memory_space<vmem>>, %arg4: memref<1x128xf32, #tpu.memory_space<vmem>>, %arg5: memref<2000x128xf32, #tpu.memory_space<vmem>>) attributes {dimension_semantics = [#tpu.dimension_semantics<arbitrary>], iteration_bounds = array<i64: 5>, scalar_prefetch = 0 : i64, scratch_operands = 0 : i64, tpu.core_type = #tpu.core_type<tc>, window_params = [{transform_indices = @transform_0, window_bounds = array<i64: 2, 2000, 128>}, {transform_indices = @transform_1, window_bounds = array<i64: 2000, 1>}, {pipeline_mode = #tpu.pipeline_mode<synchronous>, transform_indices = @transform_2, window_bounds = array<i64: 128, 128>}, {pipeline_mode = #tpu.pipeline_mode<synchronous>, transform_indices = @transform_3, window_bounds = array<i64: 1, 128>}, {transform_indices = @transform_4, window_bounds = array<i64: 2000, 128>}]} {
    %get3A = arith.constant 0 : index
    %get3A_0 = arith.constant 0 : index
    %get3A_1 = arith.constant 0 : index
    %get3A_2 = vector.load %arg1[%get3A, %get3A_0, %get3A_1] : memref<2x2000x128xf32, #tpu.memory_space<vmem>>, vector<1x2000x128xf32>
    %get3A_3 = vector.shape_cast %get3A_2 : vector<1x2000x128xf32> to vector<2000x128xf32>
    %get3A_4 = arith.constant 1 : index
    %get3A_5 = arith.constant 0 : index
    %get3A_6 = arith.constant 0 : index
    %get3A_7 = vector.load %arg1[%get3A_4, %get3A_5, %get3A_6] : memref<2x2000x128xf32, #tpu.memory_space<vmem>>, vector<1x2000x128xf32>
    %get3A_8 = vector.shape_cast %get3A_7 : vector<1x2000x128xf32> to vector<2000x128xf32>
    %add3A = arith.addf %get3A_3, %get3A_8 : vector<2000x128xf32>
    %get3A_9 = arith.constant 0 : index
    %get3A_10 = arith.constant 0 : index
    %get3A_11 = vector.load %arg2[%get3A_9, %get3A_10] : memref<2000x1xf32, #tpu.memory_space<vmem>>, vector<2000x1xf32>
    %mul3A = vector.broadcast %get3A_11 : vector<2000x1xf32> to vector<2000x128xf32>
    %mul3A_12 = arith.mulf %add3A, %mul3A : vector<2000x128xf32>
    %get3A_13 = arith.constant 0 : index
    %get3A_14 = arith.constant 0 : index
    %get3A_15 = vector.load %arg3[%get3A_13, %get3A_14] : memref<128x128xf32, #tpu.memory_space<vmem>>, vector<128x128xf32>
    %dot_general3A = arith.constant dense<0.000000e+00> : vector<2000x128xf32>
    %dot_general3A_16 = tpu.matmul %mul3A_12, %get3A_15, %dot_general3A {dimension_numbers = #tpu.dot_dimension_numbers<[1], [1], [0], [0], [0, 0, 1, 0], [], []>, transpose_lhs_hint = false} : vector<2000x128xf32>, vector<128x128xf32>, vector<2000x128xf32> -> vector<2000x128xf32>
    %get3A_17 = arith.constant 0 : index
    %get3A_18 = arith.constant 0 : index
    %get3A_19 = vector.load %arg4[%get3A_17, %get3A_18] : memref<1x128xf32, #tpu.memory_space<vmem>>, vector<1x128xf32>
    %add3A_20 = vector.broadcast %get3A_19 : vector<1x128xf32> to vector<2000x128xf32>
    %add3A_21 = arith.addf %dot_general3A_16, %add3A_20 : vector<2000x128xf32>
    %swap3A = arith.constant 0 : index
    %swap3A_22 = arith.constant 0 : index
    %swap3A_23 = vector.load %arg5[%swap3A, %swap3A_22] : memref<2000x128xf32, #tpu.memory_space<vmem>>, vector<2000x128xf32>
    tpu.vector_store %arg5[%swap3A, %swap3A_22], %add3A_21 {strides = array<i32>} : memref<2000x128xf32, #tpu.memory_space<vmem>>, vector<2000x128xf32>,
    return
  }
  func.func @transform_0(%arg0: i32) -> (i32, i32, i32) {
    %c0_i32 = arith.constant 0 : i32
    %c0_i32_0 = arith.constant 0 : i32
    %c0_i32_1 = arith.constant 0 : i32
    return %c0_i32, %arg0, %c0_i32_0 : i32, i32, i32
  }
  func.func @transform_1(%arg0: i32) -> (i32, i32) {
    %c0_i32 = arith.constant 0 : i32
    %c0_i32_0 = arith.constant 0 : i32
    return %arg0, %c0_i32 : i32, i32
  }
  func.func @transform_2(%arg0: i32) -> (i32, i32) {
    %c0_i32 = arith.constant 0 : i32
    %c0_i32_0 = arith.constant 0 : i32
    %c0_i32_1 = arith.constant 0 : i32
    return %c0_i32, %c0_i32_0 : i32, i32
  }
  func.func @transform_3(%arg0: i32) -> (i32, i32) {
    %c0_i32 = arith.constant 0 : i32
    %c0_i32_0 = arith.constant 0 : i32
    %c0_i32_1 = arith.constant 0 : i32
    return %c0_i32, %c0_i32_0 : i32, i32
  }
  func.func @transform_4(%arg0: i32) -> (i32, i32) {
    %c0_i32 = arith.constant 0 : i32
    %c0_i32_0 = arith.constant 0 : i32
    return %arg0, %c0_i32 : i32, i32
  }
}

</mosaic_0001>

<sc_bundles>
// kernel: kernel.5.cloned.1.call-start
scs
__scs_entry_jumppad:
0x0: {  	(pc) =	sbr.rel $0x88, $3  }
0x1: {  	(tag) =	ssettag $0x0;
	lr =	simm.s32 $0x1  }
0x2: {  	[smem:$0x3F9C] =	sst lr;
	_ =	strace $0xD0000000  }
0x3: {  	_ = 	snop  }
0x4: {  	_ = 	snop  }
0x5: {  	_ = 	snop  }
0x6: {  	_ = 	snop  }
0x7: {  	_ = 	snop  }
__scs_overlays_trampoline_lowered:
0x8: {  	[smem:$0x3FAB] =	sst s0  }
0x9: {  	[smem:$0x3FAC] =	sst s1  }
0xa: {  	[smem:$0x3FAD] =	sst s2  }
0xb: {  	[smem:$0x3FAE] =	sst s3  }
0xc: {  	[smem:$0x3FAF] =	sst s4  }
0xd: {  	[smem:$0x3FB0] =	sst s5  }
0xe: {  	[smem:$0x3FB1] =	sst s6  }
0xf: {  	[smem:$0x3FB2] =	sst s7  }
0x10: {  	[smem:$0x3FB3] =	sst s8  }
0x11: {  	[smem:$0x3FB4] =	sst s9;
	s0 =	simm.s32 @!p0 $0x0  }
0x12: {  	s1 =	sld [smem:$0x3F9A];
	s0 =	simm.s32 @p0 $0x1  }
0x13: {  	[smem:$0x3FB5] =	sst s0;
	s0 =	simm.s32 @!p1 $0x0  }
0x14: {  	s2 =	sld [smem:$0x3F99];
	s0 =	simm.s32 @p1 $0x1  }
0x15: {  	[smem:$0x3FB6] =	sst s0;
	s0 =	simm.s32 @!p2 $0x0  }
0x16: {  	s3 =	sld [smem:$0x3FDB];
	s0 =	simm.s32 @p2 $0x1  }
0x17: {  	s4 =	simm.s32 $0x1BF5;
	[smem:$0x3FB8] =	sst s0  }
0x18: {  	s0 =	sld [smem:$0x3F9B];
	_ =	swait.ge [sflag:s4], $0x0  }
0x19: {  	s7 =	sld [smem:$0x3F9C]  }
0x1a: {  	s8 =	sadd.s32 $0xFFFFE003, lr  }
0x1b: {  	s9 =	sadd.s32 $0xFFFFFEF7, lr;
	s5 =	simm.s32 $0xFFFFFFFF;
	p2 =	slt.u32 s8, $0xFFFFF086  }
0x1c: {  	p1 =	slt.u32 s9, $0xF7A;
	s5 =	simm.s32 @!p2 $0x0  }
0x1d: {  	s5 =	simm.s32 @p1 $0x1;
	p0 =	seq.s32 s7, s2  }
0x1e: {  	s7 =	smul.u32 @!p0 $0xF7A, s2;
	p2 =	seq.s32 @!p0 s5, $0x0  }
0x1f: {  	s9 =	smul.u32 $0xF7A, s1;
	s8 =	simm.s32 @!p0 $0x1BF5;
	p2 =	por !p2, p0  }
0x20: {  	[sflag:s8] =	ssyncset.s32 @!p0 $0xFFFFF086;
	s6 =	sadd.s32 @!p0 s3, s7;
	s7 =	simm.s32 @!p0 $0x108  }
0x21: {  	s3 =	sadd.s32 s3, s9;
	s6 =	sadd.s32 @!p0 $0x88, s6;
	s7 =	simm.s32 @p2 $0x1082  }
0x22: {  	[simem:s7], [sflag:s8] =	dma.local @!p0 [hbm:s6], $0xF7A  }
0x23: {  	s9 =	sor.u32 $0xD0000000, s2;
	s6 =	simm.s32 $0x108;
	_ =	swait.ge @!p0 [sflag:s8], $0x0  }
0x24: {  	s3 =	sadd.s32 $0x88, s3;
	s6 =	simm.s32 @!p1 $0x1082;
	[sflag:s4] =	ssyncset.s32 $0xFFFFF086  }
0x25: {  	[simem:s6], [sflag:s4] =	dma.local [hbm:s3], $0xF7A  }
0x26: {  	[smem:$0x3F9C] =	sst s1;
	(tag) =	ssettag s2;
	_ =	strace s9  }
0x27: {  	s1 =	sld [smem:$0x3FAC]  }
0x28: {  	s2 =	sld [smem:$0x3FAD]  }
0x29: {  	s4 =	sld [smem:$0x3FAF]  }
0x2a: {  	p0 =	seq.s32 s5, $0x0;
	s5 =	sld [smem:$0x3FB0]  }
0x2b: {  	s6 =	sld [smem:$0x3FB1]  }
0x2c: {  	s7 =	sld [smem:$0x3FB2]  }
0x2d: {  	s3 =	simm.s32 $0x108;
	s8 =	sld [smem:$0x3FB3]  }
0x2e: {  	s3 =	simm.s32 @!p0 $0x1082;
	s9 =	sld [smem:$0x3FB4]  }
0x2f: {  	lr =	sadd.s32 s0, s3;
	s0 =	sld [smem:$0x3FAB]  }
0x30: {  	s3 =	sld [smem:$0x3FAE]  }
0x31: {  	[smem:$0x3FB7] =	sst s10  }
0x32: {  	s10 =	sld [smem:$0x3FB5];
	_ =	sdelay $0x3  }
0x33: {  	p0 =	seq.s32 s10, $0x1;
	s10 =	sld [smem:$0x3FB7];
	_ =	sdelay $0x3  }
0x34: {  	[smem:$0x3FB7] =	sst s10  }
0x35: {  	s10 =	sld [smem:$0x3FB6];
	_ =	sdelay $0x3  }
0x36: {  	p1 =	seq.s32 s10, $0x1;
	s10 =	sld [smem:$0x3FB7];
	_ =	sdelay $0x3  }
0x37: {  	[smem:$0x3FB7] =	sst s10  }
0x38: {  	s10 =	sld [smem:$0x3FB8]  }
0x39: {  	_ = 	snop;
	(pc) =	sbr.ind lr, $3  }
0x3a: {  	_ = 	snop  }
0x3b: {  	_ = 	snop  }
0x3c: {  	p2 =	seq.s32 s10, $0x1;
	s10 =	sld [smem:$0x3FB7]  }
0x3d: {  	_ =	shalt  }
0x3e: {  	_ =	shalt  }
0x3f: {  	_ =	shalt  }
0x40: {  	_ =	shalt  }
0x41: {  	_ =	shalt  }
0x42: {  	_ =	shalt  }
0x43: {  	_ =	shalt  }
0x44: {  	_ =	shalt  }
0x45: {  	_ =	shalt  }
0x46: {  	_ =	shalt  }
0x47: {  	_ =	shalt  }
0x48: {  	_ =	shalt  }
0x49: {  	_ =	shalt  }
0x4a: {  	_ =	shalt  }
0x4b: {  	_ =	shalt  }
0x4c: {  	_ =	shalt  }
0x4d: {  	_ =	shalt  }
0x4e: {  	_ =	shalt  }
0x4f: {  	_ =	shalt  }
0x50: {  	_ =	shalt  }
0x51: {  	_ =	shalt  }
0x52: {  	_ =	shalt  }
0x53: {  	_ =	shalt  }
0x54: {  	_ =	shalt  }
0x55: {  	_ =	shalt  }
0x56: {  	_ =	shalt  }
0x57: {  	_ =	shalt  }
0x58: {  	_ =	shalt  }
0x59: {  	_ =	shalt  }
0x5a: {  	_ =	shalt  }
0x5b: {  	_ =	shalt  }
0x5c: {  	_ =	shalt  }
0x5d: {  	_ =	shalt  }
0x5e: {  	_ =	shalt  }
0x5f: {  	_ =	shalt  }
0x60: {  	_ =	shalt  }
0x61: {  	_ =	shalt  }
0x62: {  	_ =	shalt  }
0x63: {  	_ =	shalt  }
0x64: {  	_ =	shalt  }
0x65: {  	_ =	shalt  }
0x66: {  	_ =	shalt  }
0x67: {  	_ =	shalt  }
0x68: {  	_ =	shalt  }
0x69: {  	_ =	shalt  }
0x6a: {  	_ =	shalt  }
0x6b: {  	_ =	shalt  }
0x6c: {  	_ =	shalt  }
0x6d: {  	_ =	shalt  }
0x6e: {  	_ =	shalt  }
0x6f: {  	_ =	shalt  }
0x70: {  	_ =	shalt  }
0x71: {  	_ =	shalt  }
0x72: {  	_ =	shalt  }
0x73: {  	_ =	shalt  }
0x74: {  	_ =	shalt  }
0x75: {  	_ =	shalt  }
0x76: {  	_ =	shalt  }
0x77: {  	_ =	shalt  }
0x78: {  	_ =	shalt  }
0x79: {  	_ =	shalt  }
0x7a: {  	_ =	shalt  }
0x7b: {  	_ =	shalt  }
0x7c: {  	_ =	shalt  }
0x7d: {  	_ =	shalt  }
0x7e: {  	_ =	shalt  }
0x7f: {  	_ =	shalt  }
0x80: {  	_ =	shalt  }
0x81: {  	_ =	shalt  }
0x82: {  	_ =	shalt  }
0x83: {  	_ =	shalt  }
0x84: {  	_ =	shalt  }
0x85: {  	_ =	shalt  }
0x86: {  	_ =	shalt  }
0x87: {  	_ =	shalt  }
.Lfunc_end0:
.L_simem_size_0:
called_computation_lowered:
.L_overlay_start_0:
0x88: {  	s2 =	sld [smem:$0x3FD9]  }
0x89: {  	s3 =	sld [smem:$0x3FFE];
	_ =	sdelay $0x1  }
0x8a: {  	s1 =	srdreg.scid  }
0x8b: {  	s0 =	sand.u32 $0x1, s1  }
0x8c: {  	s17 =	sshll.u32 s0, $0xA;
	s2 =	sadd.s32 s3, s2  }
0x8d: {  	s2 =	sadd.s32 s2, s17  }
0x8e: {  	[smem:$0x3FC3] =	sst s2  }
0x8f: {  	_ = 	snop  }
0x90: {  	s2 =	sld [smem:$0x3FD0];
	(tm) =	ssettm $0x1  }
0x91: {  	s18 =	sld [smem:$0x3FFB];
	_ =	sdelay $0x3  }
0x92: {  	_ =	strace s18  }
0x93: {  	s3 =	sld [smem:$0x3FFC];
	_ =	sdelay $0x3  }
0x94: {  	_ =	strace s3  }
0x95: {  	s3 =	sld [smem:$0x3FFD];
	_ =	sdelay $0x3  }
0x96: {  	_ =	strace s3  }
0x97: {  	_ =	strace $0x8FFFFFFF  }
0x98: {  	s19 =	sld [smem:$0x3FDB];
	_ =	sdelay $0x1  }
0x99: {  	s4 =	simm.s32 $_scs_section_size  }
0x9a: {  	s5 =	simm.s32 $_size__tile_overlayer_lowered;
	s6 =	simm.s32 $_tile_overlayer_lowered  }
0x9b: {  	s22 =	simm.s32 $0x1BFF;
	s21 =	sshll.u32 s6, $0x1;
	s3 =	sadd.s32 s4, s19  }
0x9c: {  	s7 =	simm.s32 $0x0;
	s20 =	sshll.u32 s5, $0x1;
	s5 =	sadd.s32 s21, s3  }
0x9d: {  	[timem:s7], [sflag:s22] =	dma.local [hbm:s5], s20  }
0x9e: {  	_ =	swait.ge [sflag:s22], s20  }
0x9f: {  	s4 =	ssub.s32 $0x0, s20;
	[sflag:s22] =	ssyncset.done $0x0  }
0xa0: {  	[sflag:s22] =	ssyncadd.s32 s4;
	_ =	sdelay $0x1  }
0xa1: {  	s23 =	simm.s32 $0x1B8B  }
0xa2: {  	_ =	swait.ge [sflag:s23], $0x1  }
0xa3: {  	[sflag:s23] =	ssyncset.done $0x0  }
0xa4: {  	s25 =	simm.s32 $0x1B8E;
	s24 =	sld [smem:$0x3FFE];
	[sflag:s23] =	ssyncadd.s32 $0xFFFFFFFF  }
0xa5: {  	s26 =	simm.s32 $execute0_lowered;
	[smem:$0x3FD2] =	sst s25  }
0xa6: {  	s5 =	sshll.u32 s26, $0x1;
	_ =	strace $0x80000046;
	[dreg:$0x1] =	wrdreg $0xFFFFFFFF  }
0xa7: {  	s28 =	simm.s32 $_size_execute0_lowered;
	s3 =	sadd.s32 s3, s5;
	[dreg:$0x0] =	wrdreg $0x0  }
0xa8: {  	s5 =	sshll.u32 s28, $0x1;
	[dreg:$0x2] =	wrdreg s3  }
0xa9: {  	[dreg:$0x3] =	wrdreg s5  }
0xaa: {  	[dreg:$0x4] =	wrdreg $0xC0  }
0xab: {  	_ =	task [dreg:s7], $0x5FFFF  }
0xac: {  	[dreg:$0x1] =	wrdreg $0xFFFFFFFF  }
0xad: {  	[dreg:$0x0] =	wrdreg $0x60  }
0xae: {  	[dreg:$0x2] =	wrdreg s2  }
0xaf: {  	[dreg:$0x3] =	wrdreg s24  }
0xb0: {  	[dreg:$0x4] =	wrdreg $0x82000  }
0xb1: {  	[dreg:$0x5] =	wrdreg $0x9  }
0xb2: {  	_ =	task.clear_ibuf [dreg:s7], $0x6FFFF;
	_ =	strace $0x90000046  }
0xb3: {  	s29 =	simm.s32 $0x9;
	_ =	strace $0x80000048  }
0xb4: {  	_ =	swait.ge [sflag:s29], $0x1  }
0xb5: {  	[sflag:s29] =	ssyncadd.s32 $0xFFFFFFFF  }
0xb6: {  	_ =	strace $0x90000048  }
0xb7: {  	_ =	sfence  }
0xb8: {  	s30 =	sld [smem:$0x0];
	_ =	sdelay $0x2  }
0xb9: {  	s31 =	sshll.u32 s1, $0xD;
	s1 =	sshrl.u32 s1, $0x2  }
0xba: {  	s3 =	sand.u32 $0x4000, s31;
	s1 =	sadd.s32 s1, s30  }
0xbb: {  	s0 =	sor.u32 s3, s0;
	s1 =	sshll.u32 s1, $0x11  }
0xbc: {  	s0 =	sor.u32 s1, s0  }
0xbd: {  	s0 =	sadd.s32 $0x8F2B, s0  }
0xbe: {  	[sflag:s0] =	ssyncadd.remote.s32 $0x1  }
0xbf: {  	_ =	sfence.sel $0xFFFF  }
0xc0: {  	[dreg:$0x0] =	wrdreg $0xFFFFFFFF;
	(pc) =	sbr.abs _section_cstart, $3  }
0xc1: {  	[dreg:$0x1] =	wrdreg $0xFFFFFFFF  }
0xc2: {  	_ =	task.clear_ibuf [dreg:s7], $0x2FFFF;
	_ =	strace $0x9FFFFFFF  }
0xc3: {  	(tm) =	ssettm $0x7FFFFFFF  }
tec
execute0_lowered:
.L_overlay_start_1:
0x0: {  	(tag) =	ssettag $0x1  }
0x1: {  	s0 =	rddreg [dreg:$0x0]  }
0x2: {  	s1 =	rddreg [dreg:$0x1];
	s2 =	srdreg.scid  }
0x3: {  	s3 =	rddreg [dreg:$0x2];
	s11 =	stileid.u32  }
0x4: {  	s4 =	simm.s32 $0x0;
	s28 =	simm.s32 $0x2;
	s7 =	smul.u32 $0x14000, s11  }
0x5: {  	s29 =	simm.s32 $0x4200;
	s30 =	simm.s32 $0x4;
	s9 =	smul.u32 $0x50000, s11  }
0x6: {  	s31 =	simm.s32 $0x3;
	s2 =	sand.u32 $0x1, s2;
	s17 =	smul.u32 $0x2800, s11  }
0x7: {  	[smem:$0x7FF] =	sst s4;
	s5 =	sadd.s32 $0xAE00, s1;
	s6 =	smul.u32 $0x140000, s2  }
0x8: {  	_ =	strace $0x80000047;
	s8 =	sshll.u32 s2, $0x4;
	s10 =	ssub.s32 $0x2, s2  }
0x9: {  	s2 =	smul.u32 $0x28000, s2;
	s13 =	sor.u32 s11, s8;
	s14 =	sshrl.u32 s9, $0x2  }
0xa: {  	s15 =	sshrl.u32 s10, $0x1;
	s6 =	sadd.s32 s7, s6;
	s8 =	sadd.s32 s14, s3  }
0xb: {  	s9 =	ssub.s32 s10, s15;
	s2 =	sadd.s32 s17, s2;
	s16 =	sadd.s32 $0x4000, s8  }
0xc: {  	s7 =	sshrl.u32 s6, $0x3;
	s18 =	sadd.s32 $0x8000, s8;
	[dreg:$0x4] =	wrdreg s16  }
0xd: {  	s6 =	sadd.s32 $0xE00, s1;
	s19 =	sadd.s32 $0xC000, s8;
	[dreg:$0x5] =	wrdreg s18  }
0xe: {  	s12 =	sadd.s32 $0x10000, s8;
	s24 =	smax.u32 s9, $0x1;
	[dreg:$0x6] =	wrdreg s19  }
0xf: {  	s1 =	sadd.s32 s7, s1;
	s7 =	smul.u32 $0x2800, s13;
	[dreg:$0x7] =	wrdreg s12  }
0x10: {  	s23 =	sor.u32 $0x100, s2;
	[dreg:$0xb] =	wrdreg s24;
	s1 =	sadd.s32 $0x14E00, s1  }
0x11: {  	s24 =	simm.s32 $0x1;
	s20 =	sshrl.u32 s7, $0x3;
	[dreg:$0xa] =	wrdreg s1  }
0x12: {  	s1 =	sshrl.u32 s23, $0x3;
	s23 =	simm.s32 $0x100;
	s21 =	sadd.s32 s5, s20  }
0x13: {  	s22 =	sadd.s32 s6, s20;
	s25 =	sadd.s32 $0x4F0, s20;
	s12 =	sadd.s32 s1, s6  }
0x14: {  	s11 =	sadd.s32 s1, s5;
	s1 =	simm.s32 $0x0;
	[dreg:$0x8] =	wrdreg s21  }
0x15: {  	[dreg:$0x9] =	wrdreg s22;
	s26 =	sadd.s32 s5, s25;
	s2 =	sadd.s32 s6, s25  }
0x16: {  	s21 =	simm.s32 $0x200;
	s22 =	simm.s32 $0x5;
	[dreg:$0xc] =	wrdreg s26  }
0x17: {  	v0 =	vimm.f32 $0.0e+00;
	s25 =	simm.s32 $0x80;
	[dreg:$0xd] =	wrdreg s2;
	s26 =	simm.s32 $0x180  }
.LBB2_1:
0x18: {  	s2 =	sand.u32 $0xFE00, s4  }
0x19: {  	s9 =	sand.u32 $0x70, s4;
	s10 =	sshrl.u32 s2, $0x2  }
0x1a: {  	s2 =	simm.s32 $0x40;
	s10 =	sor.u32 s9, s10;
	s9 =	simm.s32 $0x0  }
.LBB2_2:
0x1b: {  	p0 =	sne.s32 s2, $0xFFC0  }
0x1c: {  	[tilespmem:s10+$0x200] =	vst v0;
	s9 =	sadd.s32 $0x10, s9;
	s10 =	smov.u32 s2;
	s2 =	sadd.s32 $0x40, s2  }
.Ltmp0:
0x1d: {  	(pc) =	sbr.rel @p0 .LBB2_2-.Ltmp0, $4  }
0x1e: {  	_ = 	snop  }
0x1f: {  	s10 =	sand.u32 $0xFE00, s10  }
0x20: {  	s19 =	sand.u32 $0x70, s9;
	s10 =	sshrl.u32 s10, $0x2  }
0x21: {  	s10 =	sor.u32 s19, s10  }
0x22: {  	[tilespmem:s10+$0x200] =	vst v0  }
0x23: {  	[spmem:s8] =	stream.linear.scatter [tilespmem:s21], [sflag:$0x5], $0x4000, $0x38;
	[tilespmem:$0x1C200] =	vst v63  }
0x24: {  	_ =	swait.ge [sflag:s22], $0x4000  }
0x25: {  	[sflag:s22] =	ssyncset.done $0x0  }
0x26: {  	s2 =	rddreg [dreg:$0x4];
	[sflag:s22] =	ssyncadd.s32 $0xFFFFC000  }
0x27: {  	[spmem:s2] =	stream.linear.scatter [tilespmem:s21], [sflag:$0x5], $0x4000, $0x38;
	[tilespmem:$0x1C200] =	vst v63  }
0x28: {  	_ =	swait.ge [sflag:s22], $0x4000  }
0x29: {  	[sflag:s22] =	ssyncset.done $0x0  }
0x2a: {  	s13 =	rddreg [dreg:$0x5];
	[sflag:s22] =	ssyncadd.s32 $0xFFFFC000  }
0x2b: {  	[spmem:s13] =	stream.linear.scatter [tilespmem:s21], [sflag:$0x5], $0x4000, $0x38;
	[tilespmem:$0x1C200] =	vst v63  }
0x2c: {  	_ =	swait.ge [sflag:s22], $0x4000  }
0x2d: {  	[sflag:s22] =	ssyncset.done $0x0  }
0x2e: {  	s14 =	rddreg [dreg:$0x6];
	[sflag:s22] =	ssyncadd.s32 $0xFFFFC000  }
0x2f: {  	[spmem:s14] =	stream.linear.scatter [tilespmem:s21], [sflag:$0x5], $0x4000, $0x38;
	[tilespmem:$0x1C200] =	vst v63  }
0x30: {  	_ =	swait.ge [sflag:s22], $0x4000  }
0x31: {  	[sflag:s22] =	ssyncset.done $0x0  }
0x32: {  	s15 =	rddreg [dreg:$0x7];
	[sflag:s22] =	ssyncadd.s32 $0xFFFFC000  }
0x33: {  	[spmem:s15] =	stream.linear.scatter [tilespmem:s21], [sflag:$0x5], $0x4000, $0x38;
	[tilespmem:$0x1C200] =	vst v63  }
0x34: {  	_ =	swait.ge [sflag:s22], $0x4000  }
0x35: {  	[sflag:s22] =	ssyncset.done $0x0  }
0x36: {  	[sflag:s22] =	ssyncadd.s32 $0xFFFFC000  }
0x37: {  	[bflag:$0x0] =	sbarrier.arrive $0xFFFF  }
0x38: {  	s16 =	rddreg [dreg:$0x8]  }
0x39: {  	[tilespmem:s4], [sflag:$0x1] =	stream.linear.gather [hbm4b:s16+s4], $0x80, $0x38;
	[tilespmem:$0x1C200] =	vst v63  }
0x3a: {  	s17 =	rddreg [dreg:$0x9]  }
0x3b: {  	[tilespmem:s23], [sflag:$0x1] =	stream.linear.gather [hbm4b:s17+s4], $0x80, $0x38;
	[tilespmem:$0x1C200] =	vst v63  }
0x3c: {  	_ =	swait.ge [sflag:s24], $0x80  }
0x3d: {  	[sflag:s24] =	ssyncset.done $0x0  }
0x3e: {  	[sflag:s24] =	ssyncadd.s32 $0xFFFFFF80  }
0x3f: {  	_ =	swait.ge [sflag:s24], $0x80  }
0x40: {  	p0 =	por $0x1, $0x1;
	[sflag:s24] =	ssyncset.done $0x0  }
0x41: {  	s9 =	simm.s32 @!p0 $0x1;
	s2 =	simm.s32 @!p0 $0x4;
	[sflag:s24] =	ssyncadd.s32 $0xFFFFFF80  }
0x42: {  	[tilespmem:s21], [sflag:$0x3] =	stream.indirect.gather [hbm4b:s0+s25], $0x80, s4, s25, $0xb8;
	[tilespmem:$0x1C200] =	vst v63  }
0x43: {  	s10 =	simm.s32 @!p0 $0x4200;
	s19 =	simm.s32 @!p0 $0x80;
	_ =	swait.ge @!p0 [sflag:s2], $0x4000  }
0x44: {  	s20 =	simm.s32 @!p0 $0x180;
	s9 =	simm.s32 @p0 $0x1;
	[sflag:s2] =	ssyncset.done @!p0 $0x0  }
0x45: {  	s18 =	sshll.u32 s9, $0x7;
	[sflag:s2] =	ssyncadd.s32 @!p0 $0xFFFFC000;
	s2 =	simm.s32 @!p0 $0x5  }
0x46: {  	[spmem:s3] =	stream.indirect.scatter.add.f32 @!p0 [tilespmem:s10], [sflag:$0x5], $0x80, s20, s19, $0xb8;
	[tilespmem:$0x1C200] =	vst v63  }
0x47: {  	s10 =	sadd.s32 s7, s18;
	_ =	swait.ge @!p0 [sflag:s2], $0x4000  }
0x48: {  	s10 =	sshrl.u32 s10, $0x3;
	[sflag:s2] =	ssyncset.done @!p0 $0x0  }
0x49: {  	s19 =	sadd.s32 s5, s10;
	[sflag:s2] =	ssyncadd.s32 @!p0 $0xFFFFC000  }
0x4a: {  	[tilespmem:s25], [sflag:$0x2] =	stream.linear.gather [hbm4b:s19+s4], $0x80, $0x38;
	[tilespmem:$0x1C200] =	vst v63  }
0x4b: {  	s20 =	sadd.s32 s6, s10  }
0x4c: {  	[tilespmem:s26], [sflag:$0x2] =	stream.linear.gather [hbm4b:s20+s4], $0x80, $0x38;
	[tilespmem:$0x1C200] =	vst v63  }
0x4d: {  	_ =	swait.ge [sflag:s28], $0x80  }
0x4e: {  	[sflag:s28] =	ssyncset.done $0x0  }
0x4f: {  	[sflag:s28] =	ssyncadd.s32 $0xFFFFFF80  }
0x50: {  	_ =	swait.ge [sflag:s28], $0x80  }
0x51: {  	p0 =	sgt.u32 s9, $0x50;
	[sflag:s28] =	ssyncset.done $0x0  }
0x52: {  	s2 =	simm.s32 @!p0 $0x3;
	[sflag:s28] =	ssyncadd.s32 $0xFFFFFF80  }
0x53: {  	[tilespmem:s29], [sflag:$0x4] =	stream.indirect.gather [hbm4b:s0+s25], $0x80, s25, s25, $0xb8;
	[tilespmem:$0x1C200] =	vst v63  }
0x54: {  	_ =	swait.ge @!p0 [sflag:s2], $0x4000  }
0x55: {  	s9 =	simm.s32 @!p0 $0x200;
	s10 =	simm.s32 @!p0 $0x80;
	[sflag:s2] =	ssyncset.done @!p0 $0x0  }
0x56: {  	s19 =	simm.s32 @!p0 $0x100;
	s20 =	simm.s32 @!p0 $0x5;
	[sflag:s2] =	ssyncadd.s32 @!p0 $0xFFFFC000  }
0x57: {  	[spmem:s3] =	stream.indirect.scatter.add.f32 @!p0 [tilespmem:s9], [sflag:$0x5], $0x80, s19, s10, $0xb8;
	[tilespmem:$0x1C200] =	vst v63  }
0x58: {  	s2 =	simm.s32 $0x0;
	_ =	swait.ge @!p0 [sflag:s20], $0x4000  }
0x59: {  	s9 =	sadd.s32 $0x20, s12;
	s10 =	sadd.s32 $0x20, s11;
	[sflag:s20] =	ssyncset.done @!p0 $0x0  }
0x5a: {  	s19 =	smov.u32 s12;
	[sflag:s20] =	ssyncadd.s32 @!p0 $0xFFFFC000;
	s20 =	smov.u32 s11  }
.LBB2_4:
0x5b: {  	[tilespmem:s4], [sflag:$0x1] =	stream.linear.gather [hbm4b:s20+s4], $0x80, $0x38;
	[tilespmem:$0x1C200] =	vst v63  }
0x5c: {  	s13 =	smov.u32 s2;
	s2 =	sadd.s32 $0x2, s2;
	s20 =	smov.u32 s10  }
0x5d: {  	[tilespmem:s23], [sflag:$0x1] =	stream.linear.gather [hbm4b:s19+s4], $0x80, $0x38;
	[tilespmem:$0x1C200] =	vst v63  }
0x5e: {  	p0 =	sne.s32 s2, $0x4C;
	s19 =	smov.u32 s9;
	_ =	swait.ge [sflag:s24], $0x80  }
0x5f: {  	[sflag:s24] =	ssyncset.done $0x0  }
0x60: {  	[sflag:s24] =	ssyncadd.s32 $0xFFFFFF80  }
0x61: {  	_ =	swait.ge [sflag:s24], $0x80  }
0x62: {  	p1 =	sgt.u32 s13, $0x4F;
	[sflag:s24] =	ssyncset.done $0x0  }
0x63: {  	s14 =	simm.s32 @!p1 $0x4;
	s13 =	sadd.s32 @!p1 $0x3, s13;
	[sflag:s24] =	ssyncadd.s32 $0xFFFFFF80  }
0x64: {  	[tilespmem:s21], [sflag:$0x3] =	stream.indirect.gather [hbm4b:s0+s25], $0x80, s4, s25, $0xb8;
	[tilespmem:$0x1C200] =	vst v63  }
0x65: {  	s15 =	simm.s32 @!p1 $0x4200;
	s13 =	simm.s32 @p1 $0x1;
	_ =	swait.ge @!p1 [sflag:s14], $0x4000  }
0x66: {  	s16 =	simm.s32 @!p1 $0x80;
	s17 =	simm.s32 @!p1 $0x180;
	[sflag:s14] =	ssyncset.done @!p1 $0x0  }
0x67: {  	s18 =	sshll.u32 s13, $0x7;
	[sflag:s14] =	ssyncadd.s32 @!p1 $0xFFFFC000;
	s14 =	simm.s32 @!p1 $0x5  }
0x68: {  	[spmem:s3] =	stream.indirect.scatter.add.f32 @!p1 [tilespmem:s15], [sflag:$0x5], $0x80, s17, s16, $0xb8;
	[tilespmem:$0x1C200] =	vst v63  }
0x69: {  	s15 =	sadd.s32 s7, s18;
	_ =	swait.ge @!p1 [sflag:s14], $0x4000  }
0x6a: {  	s15 =	sshrl.u32 s15, $0x3;
	[sflag:s14] =	ssyncset.done @!p1 $0x0  }
0x6b: {  	[sflag:s14] =	ssyncadd.s32 @!p1 $0xFFFFC000;
	s14 =	sadd.s32 s5, s15  }
0x6c: {  	[tilespmem:s25], [sflag:$0x2] =	stream.linear.gather [hbm4b:s14+s4], $0x80, $0x38;
	[tilespmem:$0x1C200] =	vst v63  }
0x6d: {  	s14 =	sadd.s32 s6, s15  }
0x6e: {  	[tilespmem:s26], [sflag:$0x2] =	stream.linear.gather [hbm4b:s14+s4], $0x80, $0x38;
	[tilespmem:$0x1C200] =	vst v63  }
0x6f: {  	_ =	swait.ge [sflag:s28], $0x80  }
0x70: {  	[sflag:s28] =	ssyncset.done $0x0  }
0x71: {  	[sflag:s28] =	ssyncadd.s32 $0xFFFFFF80  }
0x72: {  	_ =	swait.ge [sflag:s28], $0x80  }
0x73: {  	[sflag:s28] =	ssyncset.done $0x0  }
0x74: {  	p1 =	sgt.u32 s13, $0x50;
	[sflag:s28] =	ssyncadd.s32 $0xFFFFFF80  }
0x75: {  	[tilespmem:s29], [sflag:$0x4] =	stream.indirect.gather [hbm4b:s0+s25], $0x80, s25, s25, $0xb8;
	[tilespmem:$0x1C200] =	vst v63  }
0x76: {  	s13 =	simm.s32 @!p1 $0x3  }
0x77: {  	s14 =	simm.s32 @!p1 $0x200;
	_ =	swait.ge @!p1 [sflag:s13], $0x4000  }
0x78: {  	s15 =	simm.s32 @!p1 $0x80;
	s16 =	simm.s32 @!p1 $0x100;
	[sflag:s13] =	ssyncset.done @!p1 $0x0  }
.Ltmp1:
0x79: {  	[sflag:s13] =	ssyncadd.s32 @!p1 $0xFFFFC000;
	s13 =	simm.s32 @!p1 $0x5;
	(pc) =	sbr.rel @p0 .LBB2_4-.Ltmp1, $4  }
0x7a: {  	[spmem:s3] =	stream.indirect.scatter.add.f32 @!p1 [tilespmem:s14], [sflag:$0x5], $0x80, s16, s15, $0xb8;
	[tilespmem:$0x1C200] =	vst v63  }
0x7b: {  	_ =	swait.ge @!p1 [sflag:s13], $0x4000  }
0x7c: {  	[sflag:s13] =	ssyncset.done @!p1 $0x0  }
0x7d: {  	s10 =	sadd.s32 $0x20, s10;
	s9 =	sadd.s32 $0x20, s9;
	[sflag:s13] =	ssyncadd.s32 @!p1 $0xFFFFC000  }
0x7e: {  	[tilespmem:s4], [sflag:$0x1] =	stream.linear.gather [hbm4b:s20+s4], $0x80, $0x38;
	[tilespmem:$0x1C200] =	vst v63  }
0x7f: {  	_ = 	snop  }
0x80: {  	[tilespmem:s23], [sflag:$0x1] =	stream.linear.gather [hbm4b:s19+s4], $0x80, $0x38;
	[tilespmem:$0x1C200] =	vst v63  }
0x81: {  	_ =	swait.ge [sflag:s24], $0x80  }
0x82: {  	[sflag:s24] =	ssyncset.done $0x0  }
0x83: {  	[sflag:s24] =	ssyncadd.s32 $0xFFFFFF80  }
0x84: {  	_ =	swait.ge [sflag:s24], $0x80  }
0x85: {  	[sflag:s24] =	ssyncset.done $0x0  }
0x86: {  	[sflag:s24] =	ssyncadd.s32 $0xFFFFFF80  }
0x87: {  	[tilespmem:s21], [sflag:$0x3] =	stream.indirect.gather [hbm4b:s0+s25], $0x80, s4, s25, $0xb8;
	[tilespmem:$0x1C200] =	vst v63  }
0x88: {  	_ =	swait.ge [sflag:s30], $0x4000  }
0x89: {  	[sflag:s30] =	ssyncset.done $0x0  }
0x8a: {  	[sflag:s30] =	ssyncadd.s32 $0xFFFFC000  }
0x8b: {  	[spmem:s3] =	stream.indirect.scatter.add.f32 [tilespmem:s29], [sflag:$0x5], $0x80, s26, s25, $0xb8;
	[tilespmem:$0x1C200] =	vst v63  }
0x8c: {  	_ =	swait.ge [sflag:s22], $0x4000  }
0x8d: {  	[sflag:s22] =	ssyncset.done $0x0  }
0x8e: {  	s2 =	rddreg [dreg:$0xc];
	[sflag:s22] =	ssyncadd.s32 $0xFFFFC000  }
0x8f: {  	[tilespmem:s25], [sflag:$0x2] =	stream.linear.gather [hbm4b:s2+s4], $0x80, $0x38;
	[tilespmem:$0x1C200] =	vst v63  }
0x90: {  	s18 =	rddreg [dreg:$0xd]  }
0x91: {  	[tilespmem:s26], [sflag:$0x2] =	stream.linear.gather [hbm4b:s18+s4], $0x80, $0x38;
	[tilespmem:$0x1C200] =	vst v63  }
0x92: {  	_ =	swait.ge [sflag:s28], $0x80  }
0x93: {  	[sflag:s28] =	ssyncset.done $0x0  }
0x94: {  	[sflag:s28] =	ssyncadd.s32 $0xFFFFFF80  }
0x95: {  	_ =	swait.ge [sflag:s28], $0x80  }
0x96: {  	[sflag:s28] =	ssyncset.done $0x0  }
0x97: {  	[sflag:s28] =	ssyncadd.s32 $0xFFFFFF80  }
0x98: {  	[tilespmem:s29], [sflag:$0x4] =	stream.indirect.gather [hbm4b:s0+s25], $0x80, s25, s25, $0xb8;
	[tilespmem:$0x1C200] =	vst v63  }
0x99: {  	_ =	swait.ge [sflag:s31], $0x4000  }
0x9a: {  	[sflag:s31] =	ssyncset.done $0x0  }
0x9b: {  	[sflag:s31] =	ssyncadd.s32 $0xFFFFC000  }
0x9c: {  	[spmem:s3] =	stream.indirect.scatter.add.f32 [tilespmem:s21], [sflag:$0x5], $0x80, s23, s25, $0xb8;
	[tilespmem:$0x1C200] =	vst v63  }
0x9d: {  	_ =	swait.ge [sflag:s22], $0x4000  }
0x9e: {  	[sflag:s22] =	ssyncset.done $0x0  }
0x9f: {  	[sflag:s22] =	ssyncadd.s32 $0xFFFFC000  }
0xa0: {  	_ =	swait.ge [sflag:s30], $0x4000  }
0xa1: {  	[sflag:s30] =	ssyncset.done $0x0  }
0xa2: {  	[sflag:s30] =	ssyncadd.s32 $0xFFFFC000  }
0xa3: {  	[spmem:s3] =	stream.indirect.scatter.add.f32 [tilespmem:s29], [sflag:$0x5], $0x80, s26, s25, $0xb8;
	[tilespmem:$0x1C200] =	vst v63  }
0xa4: {  	_ =	swait.ge [sflag:s22], $0x4000  }
0xa5: {  	[sflag:s22] =	ssyncset.done $0x0  }
0xa6: {  	s19 =	stileid.u32;
	[sflag:s22] =	ssyncadd.s32 $0xFFFFC000  }
0xa7: {  	s2 =	sshll.u32 s19, $0x6;
	[bflag:$0x0] =	sbarrier.arrive $0xFFFF  }
0xa8: {  	s9 =	sshrl.u32 s8, $0x3;
	s2 =	sor.u32 $0x1C05, s2;
	s10 =	rddreg [dreg:$0xa]  }
0xa9: {  	[hbm:s10], [sflag:s2] =	dma.local [spmem:s9], $0x2800  }
0xaa: {  	_ =	swait.ge [sflag:s22], $0x2800  }
0xab: {  	s1 =	sadd.s32 $0x1, s1;
	s20 =	rddreg [dreg:$0xb]  }
0xac: {  	p0 =	sne.s32 s1, s20  }
.Ltmp2:
0xad: {  	_ = 	snop;
	(pc) =	sbr.rel @p0 .LBB2_1-.Ltmp2, $3  }
0xae: {  	_ =	sdelay $0x1  }
0xaf: {  	[sflag:s22] =	ssyncset.done $0x0  }
0xb0: {  	[sflag:s22] =	ssyncadd.s32 $0xFFFFD800  }
0xb1: {  	_ =	sfence.sel $0x180000  }
0xb2: {  	[bflag:$0x0] =	sbarrier.arrive $0xFFFF  }
0xb3: {  	_ =	strace $0x90000047  }
0xb4: {  	s0 =	stileid.u32;
	[bflag:$0x2] =	sbarrier.arrive $0xFFFF  }
0xb5: {  	p0 =	sne.s32 s0, $0x0;
	s0 =	rddreg [dreg:$0x3]  }
0xb6: {  	s0 =	sadd.s32 @!p0 $0x100000, s0  }
0xb7: {  	[sflag:s0] =	ssyncadd.tile.s32 @!p0 $0x1;
	_ =	shalt  }
.Lfunc_end2:
_tile_overlayer_lowered:
.L_overlay_start_2:
0xb8: {  	(tag) =	ssettag $0x2  }
0xb9: {  	s0 =	rddreg [dreg:$0x0];
	s2 =	stileid.u32  }
0xba: {  	s1 =	rddreg [dreg:$0x1];
	p0 =	sne.s32 s2, $0x0  }
0xbb: {  	s3 =	rddreg [dreg:$0x2];
	[bflag:$0x3] =	sbarrier.arrive $0xFFFF;
	s2 =	simm.s32 @!p0 $0x1C05  }
0xbc: {  	[timem:s3], [sflag:s2] =	dma.local @!p0 [hbm:s0], s1  }
0xbd: {  	s0 =	simm.s32 @!p0 $0x5  }
0xbe: {  	_ =	swait.ge @!p0 [sflag:s0], s1  }
0xbf: {  	s1 =	ssub.s32 @!p0 $0x0, s1;
	[sflag:s0] =	ssyncset.done @!p0 $0x0  }
0xc0: {  	[sflag:s0] =	ssyncadd.s32 @!p0 s1  }
0xc1: {  	[bflag:$0x3] =	sbarrier.arrive $0xFFFF  }
0xc2: {  	_ =	shalt  }

</sc_bundles>
